<compile_context>
chip_gen: v7x
topology: tpu7x:2x2x1
jax: 0.10.2.dev20260603
libtpu: 0.0.44.dev20260713+nightly
codegen_flags: <defaults>
</compile_context>

<pallas_src>
import jax
import jax.numpy as jnp
from jax import lax
from jax.experimental import pallas as pl
from jax.experimental.pallas import tpu as pltpu
from jax.experimental.pallas import tpu_sc as plsc

N = 10000
E = 320000
D = 128

NC = 2
NS = 16
NW = NC * NS

NP = 10240
ROWS_PT = NP // NS
DEG_PT = NP // NS

CH = 128
NCH = 2560
PE = NCH * CH
CPT = NCH // NW
DGRP = 8
NDG = CPT // DGRP

_mesh = plsc.VectorSubcoreMesh(
    core_axis_name="c", subcore_axis_name="s", num_cores=NC, num_subcores=NS)


def _deg_body(dst2_hbm, d0_hbm, d1_hbm, deg_sp, zv, ones_v, didx_all, dsem):
    cid = lax.axis_index("c")
    sid = lax.axis_index("s")
    wid = cid * NS + sid

    def zinit(i, carry):
        zv[pl.ds(i * 16, 16)] = jnp.zeros((16,), jnp.float32)
        return carry

    lax.fori_loop(0, DEG_PT // 16, zinit, None)

    def oinit(i, carry):
        ones_v[pl.ds(i * 16, 16)] = jnp.ones((16,), jnp.float32)
        return carry

    lax.fori_loop(0, CH // 16, oinit, None)

    sl = pl.ds(sid * DEG_PT, DEG_PT)
    pltpu.sync_copy(zv, deg_sp.at[sl])
    pltpu.sync_copy(dst2_hbm.at[pl.ds(wid * CPT, CPT)], didx_all)
    plsc.subcore_barrier()

    def fire(g):
        def k(i, carry):
            pltpu.async_copy(
                ones_v, deg_sp.at[didx_all.at[g * DGRP + i]], dsem, add=True)
            return carry
        lax.fori_loop(0, DGRP, k, None)

    def drain(g):
        def k(i, carry):
            pltpu.make_async_copy(
                ones_v, deg_sp.at[didx_all.at[g * DGRP + i]], dsem).wait()
            return carry
        lax.fori_loop(0, DGRP, k, None)

    fire(0)

    def body(g, carry):
        @pl.when(g + 1 < NDG)
        def _():
            fire(g + 1)
        drain(g)
        return carry

    lax.fori_loop(0, NDG, body, None)
    plsc.subcore_barrier()

    @pl.when(cid == 0)
    def _():
        pltpu.sync_copy(deg_sp.at[sl], d0_hbm.at[sl])

    @pl.when(cid == 1)
    def _():
        pltpu.sync_copy(deg_sp.at[sl], d1_hbm.at[sl])


_deg_kernel = pl.kernel(
    _deg_body,
    out_type=(jax.ShapeDtypeStruct((NP,), jnp.float32),
              jax.ShapeDtypeStruct((NP,), jnp.float32)),
    mesh=_mesh,
    scratch_types=[
        pltpu.VMEM_SHARED((NP,), jnp.float32),
        pltpu.VMEM((DEG_PT,), jnp.float32),
        pltpu.VMEM((CH,), jnp.float32),
        pltpu.VMEM((CPT, CH), jnp.int32),
        pltpu.SemaphoreType.DMA,
    ],
)


def _scat_body(src_hbm, dst_hbm, y_hbm, z_hbm, o0_hbm, o1_hbm,
               acc_sp, rA, rB, siA, diA, siB, diB, gsA, gsB, isA, isB):
    cid = lax.axis_index("c")
    sid = lax.axis_index("s")
    wid = cid * NS + sid
    base_e = wid * CPT * CH

    rsl = pl.ds(sid * ROWS_PT, ROWS_PT)
    pltpu.sync_copy(z_hbm.at[rsl], acc_sp.at[rsl])
    plsc.subcore_barrier()

    def idx_load(c, si, di, isem):
        b = pl.multiple_of(base_e + c * CH, CH)
        pltpu.async_copy(src_hbm.at[pl.ds(b, CH)], si, isem)
        pltpu.async_copy(dst_hbm.at[pl.ds(b, CH)], di, isem)

    def idx_wait(c, si, di, isem):
        b = pl.multiple_of(base_e + c * CH, CH)
        pltpu.make_async_copy(src_hbm.at[pl.ds(b, CH)], si, isem).wait()
        pltpu.make_async_copy(dst_hbm.at[pl.ds(b, CH)], di, isem).wait()

    def gather(si, rows, gsem):
        pltpu.async_copy(y_hbm.at[si], rows, gsem)

    def gwait(si, rows, gsem):
        pltpu.make_async_copy(y_hbm.at[si], rows, gsem).wait()

    idx_load(0, siA, diA, isA)
    idx_load(1, siB, diB, isB)
    idx_wait(0, siA, diA, isA)
    gather(siA, rA, gsA)

    def step(c, cur, nxt):
        r_c, si_c, di_c, gs_c, is_c = cur
        r_n, si_n, di_n, gs_n, is_n = nxt

        @pl.when(c + 1 < CPT)
        def _():
            idx_wait(c + 1, si_n, di_n, is_n)
            gather(si_n, r_n, gs_n)

        gwait(si_c, r_c, gs_c)
        pltpu.sync_copy(r_c, acc_sp.at[di_c], add=True)

        @pl.when(c + 2 < CPT)
        def _():
            idx_load(c + 2, si_c, di_c, is_c)

    bufA = (rA, siA, diA, gsA, isA)
    bufB = (rB, siB, diB, gsB, isB)

    def body(t, carry):
        step(2 * t, bufA, bufB)
        step(2 * t + 1, bufB, bufA)
        return carry

    lax.fori_loop(0, CPT // 2, body, None)
    plsc.subcore_barrier()

    @pl.when(cid == 0)
    def _():
        pltpu.sync_copy(acc_sp.at[rsl], o0_hbm.at[rsl])

    @pl.when(cid == 1)
    def _():
        pltpu.sync_copy(acc_sp.at[rsl], o1_hbm.at[rsl])


_scat_kernel = pl.kernel(
    _scat_body,
    out_type=(jax.ShapeDtypeStruct((NP, D), jnp.float32),
              jax.ShapeDtypeStruct((NP, D), jnp.float32)),
    mesh=_mesh,
    scratch_types=[
        pltpu.VMEM_SHARED((NP, D), jnp.float32),
        pltpu.VMEM((CH, D), jnp.float32),
        pltpu.VMEM((CH, D), jnp.float32),
        pltpu.VMEM((CH,), jnp.int32),
        pltpu.VMEM((CH,), jnp.int32),
        pltpu.VMEM((CH,), jnp.int32),
        pltpu.VMEM((CH,), jnp.int32),
        pltpu.SemaphoreType.DMA,
        pltpu.SemaphoreType.DMA,
        pltpu.SemaphoreType.DMA,
        pltpu.SemaphoreType.DMA,
    ],
)

R1 = 160
G1 = NP // R1
R3 = 200
G3 = N // R3


def _tc1_body(x_ref, w_ref, d0_ref, d1_ref, dinv_ref, y1_ref):
    dv = lax.rsqrt(d0_ref[...] + d1_ref[...] + 1.0)
    dinv_ref[...] = dv
    y1_ref[...] = jnp.dot(
        x_ref[...], w_ref[...], preferred_element_type=jnp.float32) * dv


def _tc2_body(s0_ref, s1_ref, y1_ref, dv_ref, b1_ref, w2_ref, y2_ref):
    dv = dv_ref[...]
    h = jnp.maximum(dv * (s0_ref[...] + s1_ref[...] + y1_ref[...]) + b1_ref[...],
                    0.0)
    y2_ref[...] = jnp.dot(
        h, w2_ref[...], preferred_element_type=jnp.float32) * dv


def _tc3_body(s0_ref, s1_ref, y2_ref, dv_ref, b2_ref, out_ref):
    out_ref[...] = dv_ref[...] * (s0_ref[...] + s1_ref[...] + y2_ref[...]) \
        + b2_ref[...]


def _row_spec(r):
    return pl.BlockSpec((r, D), lambda i: (i, 0))


def _col_spec(r):
    return pl.BlockSpec((r, 1), lambda i: (i, 0))


_w_spec = pl.BlockSpec((D, D), lambda i: (0, 0))
_b_spec = pl.BlockSpec((1, D), lambda i: (0, 0))

_tc1 = pl.pallas_call(
    _tc1_body,
    grid=(G1,),
    in_specs=[_row_spec(R1), _w_spec, _col_spec(R1), _col_spec(R1)],
    out_specs=[_col_spec(R1), _row_spec(R1)],
    out_shape=(jax.ShapeDtypeStruct((NP, 1), jnp.float32),
               jax.ShapeDtypeStruct((NP, D), jnp.float32)),
)

_tc2 = pl.pallas_call(
    _tc2_body,
    grid=(G1,),
    in_specs=[_row_spec(R1), _row_spec(R1), _row_spec(R1), _col_spec(R1),
              _b_spec, _w_spec],
    out_specs=_row_spec(R1),
    out_shape=jax.ShapeDtypeStruct((NP, D), jnp.float32),
)

_tc3 = pl.pallas_call(
    _tc3_body,
    grid=(G3,),
    in_specs=[_row_spec(R3), _row_spec(R3), _row_spec(R3), _col_spec(R3),
              _b_spec],
    out_specs=_row_spec(R3),
    out_shape=jax.ShapeDtypeStruct((N, D), jnp.float32),
)


def kernel(x, edge_index, W1, b1, W2, b2):
    src = edge_index[0]
    dst = edge_index[1]
    pad_e = PE - E
    ppt = pad_e // NW
    pad_dst = jnp.broadcast_to(
        jnp.arange(N, N + ppt, dtype=jnp.int32), (NW, ppt))
    pad_src = pad_dst
    srcp = jnp.concatenate(
        [src.reshape(NW, E // NW), pad_src], axis=1).reshape(NCH, CH)
    dstp = jnp.concatenate(
        [dst.reshape(NW, E // NW), pad_dst], axis=1).reshape(NCH, CH)
    xp = jnp.concatenate([x, jnp.zeros((NP - N, D), jnp.float32)])
    zeros = jnp.zeros((NP, D), jnp.float32)

    srcf = srcp.reshape(-1)
    dstf = dstp.reshape(-1)
    d0, d1 = _deg_kernel(dstp)
    d0 = d0.reshape(NP, 1)
    d1 = d1.reshape(NP, 1)

    dinv, y1 = _tc1(xp, W1, d0, d1)
    s10, s11 = _scat_kernel(srcf, dstf, y1, zeros)
    y2 = _tc2(s10, s11, y1, dinv, b1.reshape(1, D), W2)
    s20, s21 = _scat_kernel(srcf, dstf, y2, zeros)
    out = _tc3(s20, s21, y2, dinv, b2.reshape(1, D))
    return out

# --- scband reference (transcript-rebuilt; emitter-appended) ---
"""Pipeline reference for scband-gcnmodel-12008728560135 (READ-ONLY COPY).

The authoritative reference and input builder live on the scoring server;
editing this copy changes nothing except your own understanding.
"""

import jax, jax.numpy as jnp
import numpy as np

N = 10000
E = 320000
D = 128


def setup_inputs(seed: int = 0) -> dict:
    key = jax.random.key(seed)
    ks = jax.random.split(key, 6)
    x = jax.random.normal(ks[0], (N, D), dtype=jnp.float32)
    edge_index = jax.random.randint(ks[1], (2, E), 0, N, dtype=jnp.int32)
    s = 1.0 / np.sqrt(D)
    W1 = jax.random.uniform(ks[2], (D, D), minval=-s, maxval=s, dtype=jnp.float32)
    b1 = jnp.zeros((D,), dtype=jnp.float32)
    W2 = jax.random.uniform(ks[3], (D, D), minval=-s, maxval=s, dtype=jnp.float32)
    b2 = jnp.zeros((D,), dtype=jnp.float32)
    return {"x": x, "edge_index": edge_index, "W1": W1, "b1": b1, "W2": W2, "b2": b2}


def _gcn_conv(x, edge_index, W, b):
    # Faithful PyG GCNConv: linear (no bias) -> add self-loops -> sym-normalized
    # scatter-add aggregation -> add bias.
    num_nodes = x.shape[0]
    loop = jnp.arange(num_nodes, dtype=edge_index.dtype)
    src = jnp.concatenate([edge_index[0], loop])
    dst = jnp.concatenate([edge_index[1], loop])
    ones = jnp.ones(src.shape[0], dtype=x.dtype)
    deg = jnp.zeros((num_nodes,), dtype=x.dtype).at[dst].add(ones)
    deg_inv_sqrt = jnp.where(deg > 0, 1.0 / jnp.sqrt(jnp.where(deg > 0, deg, 1.0)), 0.0)
    norm = deg_inv_sqrt[src] * deg_inv_sqrt[dst]
    xw = x @ W
    msg = xw[src] * norm[:, None]
    out = jnp.zeros_like(xw).at[dst].add(msg)
    return out + b


def reference(x, edge_index, W1, b1, W2, b2):
    h = _gcn_conv(x, edge_index, W1, b1)
    h = jax.nn.relu(h)
    # dropout(p=0.5, training=self.training): module evaluated in eval mode -> identity
    out = _gcn_conv(h, edge_index, W2, b2)
    return out

if __name__ == "__main__":
    import jax
    _d = setup_inputs()
    print(jax.jit(kernel)(*tuple(_d.values())))

</pallas_src>

<mosaic_0001>
#map = affine_map<(d0, d1) -> (0, 0)>
#map1 = affine_map<(d0, d1) -> (0)>
module attributes {stable_mosaic.version = 14 : i64} {
  func.func @_deg_body(%arg0: i32, %arg1: i32, %arg2: memref<2560x128xi32, #tpu.memory_space<hbm>>, %arg3: memref<10240xf32, #tpu.memory_space<hbm>>, %arg4: memref<10240xf32, #tpu.memory_space<hbm>>, %arg5: memref<10240xf32, #tpu.memory_space<vmem_shared>>, %arg6: memref<640xf32, #tpu.memory_space<vmem>>, %arg7: memref<128xf32, #tpu.memory_space<vmem>>, %arg8: memref<80x128xi32, #tpu.memory_space<vmem>>, %arg9: memref<!tpu.dma_semaphore, #tpu.memory_space<semaphore_mem>>) attributes {dimension_semantics = [#tpu.dimension_semantics<core_parallel>, #tpu.dimension_semantics<subcore_parallel>], iteration_bounds = array<i64: 2, 16>, scalar_prefetch = 0 : i64, scratch_operands = 5 : i64, tpu.core_type = #tpu.core_type<sc_vector_subcore>, window_params = [{transform_indices = #map}, {transform_indices = #map1}, {transform_indices = #map1}]} {
    %mul3A = arith.constant 16 : i32
    %mul3A_0 = arith.muli %arg0, %mul3A : i32
    %add3A = arith.addi %mul3A_0, %arg1 : i32
    %scan3A = arith.constant 0 : i32
    %scan3A_1 = arith.constant 40 : i32
    %scan3A_2 = arith.addi %scan3A, %scan3A_1 : i32
    %scan3A_3 = arith.constant 1 : i32
    scf.for %scan3A_32 = %scan3A to %scan3A_2 step %scan3A_3  : i32 {
      %broadcast_in_dim3A = arith.constant 0.000000e+00 : f32
      %broadcast_in_dim3A_33 = vector.broadcast %broadcast_in_dim3A : f32 to vector<16xf32>
      %mul3A_34 = arith.constant 16 : i32
      %mul3A_35 = arith.muli %scan3A_32, %mul3A_34 : i32
      %swap3A = arith.index_cast %mul3A_35 : i32 to index
      %swap3A_36 = tpu.vector_load %arg6[%swap3A] {strides = array<i32>} : memref<640xf32, #tpu.memory_space<vmem>>, vector<16xf32>,
      %swap3A_37 = vector.shape_cast %swap3A_36 : vector<16xf32> to vector<16xf32>
      %swap3A_38 = vector.shape_cast %broadcast_in_dim3A_33 : vector<16xf32> to vector<16xf32>
      tpu.vector_store %arg6[%swap3A], %swap3A_38 {strides = array<i32>} : memref<640xf32, #tpu.memory_space<vmem>>, vector<16xf32>,
    }
    %scan3A_4 = arith.constant 40 : i32
    %scan3A_5 = arith.constant 0 : i32
    %scan3A_6 = arith.constant 8 : i32
    %scan3A_7 = arith.addi %scan3A_5, %scan3A_6 : i32
    %scan3A_8 = arith.constant 1 : i32
    scf.for %scan3A_32 = %scan3A_5 to %scan3A_7 step %scan3A_8  : i32 {
      %broadcast_in_dim3A = arith.constant 1.000000e+00 : f32
      %broadcast_in_dim3A_33 = vector.broadcast %broadcast_in_dim3A : f32 to vector<16xf32>
      %mul3A_34 = arith.constant 16 : i32
      %mul3A_35 = arith.muli %scan3A_32, %mul3A_34 : i32
      %swap3A = arith.index_cast %mul3A_35 : i32 to index
      %swap3A_36 = tpu.vector_load %arg7[%swap3A] {strides = array<i32>} : memref<128xf32, #tpu.memory_space<vmem>>, vector<16xf32>,
      %swap3A_37 = vector.shape_cast %swap3A_36 : vector<16xf32> to vector<16xf32>
      %swap3A_38 = vector.shape_cast %broadcast_in_dim3A_33 : vector<16xf32> to vector<16xf32>
      tpu.vector_store %arg7[%swap3A], %swap3A_38 {strides = array<i32>} : memref<128xf32, #tpu.memory_space<vmem>>, vector<16xf32>,
    }
    %scan3A_9 = arith.constant 8 : i32
    %mul3A_10 = arith.constant 640 : i32
    %mul3A_11 = arith.muli %arg1, %mul3A_10 : i32
    "tpu.region"() ({
      %run_scoped3A = tpu.sem_alloc : memref<!tpu.dma_semaphore, #tpu.memory_space<semaphore_mem>>
      %dma_start3A = tpu.memref_slice %arg5[%mul3A_11] : memref<10240xf32, #tpu.memory_space<vmem_shared>> -> memref<640xf32, #tpu.memory_space<vmem_shared>>
      %dma_start3A_32 = tpu.memref_slice %arg5[%mul3A_11] : memref<10240xf32, #tpu.memory_space<vmem_shared>> -> memref<640xf32, #tpu.memory_space<vmem_shared>>
      tpu.enqueue_dma source(%arg6 : memref<640xf32, #tpu.memory_space<vmem>>) target(%dma_start3A_32 : memref<640xf32, #tpu.memory_space<vmem_shared>>) target_semaphore(%run_scoped3A : memref<!tpu.dma_semaphore, #tpu.memory_space<semaphore_mem>>)
      %dma_wait3A = tpu.memref_slice %arg5[%mul3A_11] : memref<10240xf32, #tpu.memory_space<vmem_shared>> -> memref<640xf32, #tpu.memory_space<vmem_shared>>
      %dma_wait3A_33 = tpu.memref_slice %arg5[%mul3A_11] : memref<10240xf32, #tpu.memory_space<vmem_shared>> -> memref<640xf32, #tpu.memory_space<vmem_shared>>
      tpu.wait_dma2 semaphore(%run_scoped3A : memref<!tpu.dma_semaphore, #tpu.memory_space<semaphore_mem>>) src(%arg6 : memref<640xf32, #tpu.memory_space<vmem>>) dst(%dma_wait3A_33 : memref<640xf32, #tpu.memory_space<vmem_shared>>)
      tpu.yield
    }) : () -> ()
    %mul3A_12 = arith.constant 80 : i32
    %mul3A_13 = arith.muli %add3A, %mul3A_12 : i32
    "tpu.region"() ({
      %run_scoped3A = tpu.sem_alloc : memref<!tpu.dma_semaphore, #tpu.memory_space<semaphore_mem>>
      %dma_start3A = arith.constant 0 : i32
      %dma_start3A_32 = tpu.memref_slice %arg2[%mul3A_13, %dma_start3A] : memref<2560x128xi32, #tpu.memory_space<hbm>> -> memref<80x128xi32, #tpu.memory_space<hbm>>
      %dma_start3A_33 = arith.constant 0 : i32
      %dma_start3A_34 = tpu.memref_slice %arg2[%mul3A_13, %dma_start3A_33] : memref<2560x128xi32, #tpu.memory_space<hbm>> -> memref<80x128xi32, #tpu.memory_space<hbm>>
      tpu.enqueue_dma source(%dma_start3A_34 : memref<80x128xi32, #tpu.memory_space<hbm>>) target(%arg8 : memref<80x128xi32, #tpu.memory_space<vmem>>) target_semaphore(%run_scoped3A : memref<!tpu.dma_semaphore, #tpu.memory_space<semaphore_mem>>)
      %dma_wait3A = arith.constant 0 : i32
      %dma_wait3A_35 = tpu.memref_slice %arg2[%mul3A_13, %dma_wait3A] : memref<2560x128xi32, #tpu.memory_space<hbm>> -> memref<80x128xi32, #tpu.memory_space<hbm>>
      %dma_wait3A_36 = arith.constant 0 : i32
      %dma_wait3A_37 = tpu.memref_slice %arg2[%mul3A_13, %dma_wait3A_36] : memref<2560x128xi32, #tpu.memory_space<hbm>> -> memref<80x128xi32, #tpu.memory_space<hbm>>
      tpu.wait_dma2 semaphore(%run_scoped3A : memref<!tpu.dma_semaphore, #tpu.memory_space<semaphore_mem>>) src(%dma_wait3A_37 : memref<80x128xi32, #tpu.memory_space<hbm>>) dst(%arg8 : memref<80x128xi32, #tpu.memory_space<vmem>>)
      tpu.yield
    }) : () -> ()
    %barrier3A = arith.constant 0 : index
    tpu.barrier barrier_id(%barrier3A)
    %scan3A_14 = arith.constant 0 : i32
    %scan3A_15 = arith.constant 8 : i32
    %scan3A_16 = arith.addi %scan3A_14, %scan3A_15 : i32
    %scan3A_17 = arith.constant 1 : i32
    scf.for %scan3A_32 = %scan3A_14 to %scan3A_16 step %scan3A_17  : i32 {
      %add3A_33 = arith.constant 0 : i32
      %add3A_34 = arith.addi %add3A_33, %scan3A_32 : i32
      %dma_start3A = arith.constant 0 : i32
      %dma_start3A_35 = tpu.memref_slice %arg8[%add3A_34, %dma_start3A] : memref<80x128xi32, #tpu.memory_space<vmem>> -> memref<1x128xi32, #tpu.memory_space<vmem>>
      %dma_start3A_36 = tpu.memref_squeeze %dma_start3A_35 : memref<1x128xi32, #tpu.memory_space<vmem>> -> memref<128xi32, #tpu.memory_space<vmem>>
      %dma_start3A_37 = arith.constant 0 : i32
      %dma_start3A_38 = tpu.memref_slice %arg5[%dma_start3A_37] : memref<10240xf32, #tpu.memory_space<vmem_shared>> -> memref<10240xf32, #tpu.memory_space<vmem_shared>>
      tpu.enqueue_indirect_dma source(%arg7 : memref<128xf32, #tpu.memory_space<vmem>>) target(%dma_start3A_38 : memref<10240xf32, #tpu.memory_space<vmem_shared>>) offsets(%dma_start3A_36 : memref<128xi32, #tpu.memory_space<vmem>>) semaphore(%arg9 : memref<!tpu.dma_semaphore, #tpu.memory_space<semaphore_mem>>) {add = true}
    }
    %scan3A_18 = arith.constant 8 : i32
    %scan3A_19 = arith.constant 0 : i32
    %scan3A_20 = arith.constant 10 : i32
    %scan3A_21 = arith.addi %scan3A_19, %scan3A_20 : i32
    %scan3A_22 = arith.constant 1 : i32
    scf.for %scan3A_32 = %scan3A_19 to %scan3A_21 step %scan3A_22  : i32 {
      %add3A_33 = arith.constant 1 : i32
      %add3A_34 = arith.addi %scan3A_32, %add3A_33 : i32
      %lt3A = arith.constant 10 : i32
      %lt3A_35 = arith.cmpi slt, %add3A_34, %lt3A : i32
      %convert_element_type3A_36 = arith.extui %lt3A_35 : i1 to i32
      %cond3A_37 = arith.constant 0 : i32
      %cond3A_38 = arith.cmpi ne, %convert_element_type3A_36, %cond3A_37 : i32
      scf.if %cond3A_38 {
        %add3A_44 = arith.constant 1 : i32
        %add3A_45 = arith.addi %scan3A_32, %add3A_44 : i32
        %scan3A_46 = arith.constant 0 : i32
        %scan3A_47 = arith.constant 8 : i32
        %scan3A_48 = arith.addi %scan3A_46, %scan3A_47 : i32
        %scan3A_49 = arith.constant 1 : i32
        scf.for %scan3A_51 = %scan3A_46 to %scan3A_48 step %scan3A_49  : i32 {
          %mul3A_52 = arith.constant 8 : i32
          %mul3A_53 = arith.muli %add3A_45, %mul3A_52 : i32
          %add3A_54 = arith.addi %mul3A_53, %scan3A_51 : i32
          %dma_start3A = arith.constant 0 : i32
          %dma_start3A_55 = tpu.memref_slice %arg8[%add3A_54, %dma_start3A] : memref<80x128xi32, #tpu.memory_space<vmem>> -> memref<1x128xi32, #tpu.memory_space<vmem>>
          %dma_start3A_56 = tpu.memref_squeeze %dma_start3A_55 : memref<1x128xi32, #tpu.memory_space<vmem>> -> memref<128xi32, #tpu.memory_space<vmem>>
          %dma_start3A_57 = arith.constant 0 : i32
          %dma_start3A_58 = tpu.memref_slice %arg5[%dma_start3A_57] : memref<10240xf32, #tpu.memory_space<vmem_shared>> -> memref<10240xf32, #tpu.memory_space<vmem_shared>>
          tpu.enqueue_indirect_dma source(%arg7 : memref<128xf32, #tpu.memory_space<vmem>>) target(%dma_start3A_58 : memref<10240xf32, #tpu.memory_space<vmem_shared>>) offsets(%dma_start3A_56 : memref<128xi32, #tpu.memory_space<vmem>>) semaphore(%arg9 : memref<!tpu.dma_semaphore, #tpu.memory_space<semaphore_mem>>) {add = true}
        }
        %scan3A_50 = arith.constant 8 : i32
      } else {
      }
      %scan3A_39 = arith.constant 0 : i32
      %scan3A_40 = arith.constant 8 : i32
      %scan3A_41 = arith.addi %scan3A_39, %scan3A_40 : i32
      %scan3A_42 = arith.constant 1 : i32
      scf.for %scan3A_44 = %scan3A_39 to %scan3A_41 step %scan3A_42  : i32 {
        %mul3A_45 = arith.constant 8 : i32
        %mul3A_46 = arith.muli %scan3A_32, %mul3A_45 : i32
        %add3A_47 = arith.addi %mul3A_46, %scan3A_44 : i32
        %dma_wait3A = arith.constant 0 : i32
        %dma_wait3A_48 = tpu.memref_slice %arg8[%add3A_47, %dma_wait3A] : memref<80x128xi32, #tpu.memory_space<vmem>> -> memref<1x128xi32, #tpu.memory_space<vmem>>
        %dma_wait3A_49 = tpu.memref_squeeze %dma_wait3A_48 : memref<1x128xi32, #tpu.memory_space<vmem>> -> memref<128xi32, #tpu.memory_space<vmem>>
        %dma_wait3A_50 = arith.constant 0 : i32
        %dma_wait3A_51 = tpu.memref_slice %arg5[%dma_wait3A_50] : memref<10240xf32, #tpu.memory_space<vmem_shared>> -> memref<10240xf32, #tpu.memory_space<vmem_shared>>
        tpu.wait_indirect_dma semaphore(%arg9 : memref<!tpu.dma_semaphore, #tpu.memory_space<semaphore_mem>>) src(%arg7 : memref<128xf32, #tpu.memory_space<vmem>>) dst(%dma_wait3A_51 : memref<10240xf32, #tpu.memory_space<vmem_shared>>)
      }
      %scan3A_43 = arith.constant 8 : i32
    }
    %scan3A_23 = arith.constant 10 : i32
    %barrier3A_24 = arith.constant 0 : index
    tpu.barrier barrier_id(%barrier3A_24)
    %eq3A = arith.constant 0 : i32
    %eq3A_25 = arith.cmpi eq, %arg0, %eq3A : i32
    %convert_element_type3A = arith.extui %eq3A_25 : i1 to i32
    %cond3A = arith.constant 0 : i32
    %cond3A_26 = arith.cmpi ne, %convert_element_type3A, %cond3A : i32
    scf.if %cond3A_26 {
      "tpu.region"() ({
        %run_scoped3A = tpu.sem_alloc : memref<!tpu.dma_semaphore, #tpu.memory_space<semaphore_mem>>
        %dma_start3A = tpu.memref_slice %arg3[%mul3A_11] : memref<10240xf32, #tpu.memory_space<hbm>> -> memref<640xf32, #tpu.memory_space<hbm>>
        %dma_start3A_32 = tpu.memref_slice %arg5[%mul3A_11] : memref<10240xf32, #tpu.memory_space<vmem_shared>> -> memref<640xf32, #tpu.memory_space<vmem_shared>>
        tpu.enqueue_dma source(%dma_start3A_32 : memref<640xf32, #tpu.memory_space<vmem_shared>>) target(%dma_start3A : memref<640xf32, #tpu.memory_space<hbm>>) target_semaphore(%run_scoped3A : memref<!tpu.dma_semaphore, #tpu.memory_space<semaphore_mem>>)
        %dma_wait3A = tpu.memref_slice %arg3[%mul3A_11] : memref<10240xf32, #tpu.memory_space<hbm>> -> memref<640xf32, #tpu.memory_space<hbm>>
        %dma_wait3A_33 = tpu.memref_slice %arg5[%mul3A_11] : memref<10240xf32, #tpu.memory_space<vmem_shared>> -> memref<640xf32, #tpu.memory_space<vmem_shared>>
        tpu.wait_dma2 semaphore(%run_scoped3A : memref<!tpu.dma_semaphore, #tpu.memory_space<semaphore_mem>>) src(%dma_wait3A_33 : memref<640xf32, #tpu.memory_space<vmem_shared>>) dst(%dma_wait3A : memref<640xf32, #tpu.memory_space<hbm>>)
        tpu.yield
      }) : () -> ()
    } else {
    }
    %eq3A_27 = arith.constant 1 : i32
    %eq3A_28 = arith.cmpi eq, %arg0, %eq3A_27 : i32
    %convert_element_type3A_29 = arith.extui %eq3A_28 : i1 to i32
    %cond3A_30 = arith.constant 0 : i32
    %cond3A_31 = arith.cmpi ne, %convert_element_type3A_29, %cond3A_30 : i32
    scf.if %cond3A_31 {
      "tpu.region"() ({
        %run_scoped3A = tpu.sem_alloc : memref<!tpu.dma_semaphore, #tpu.memory_space<semaphore_mem>>
        %dma_start3A = tpu.memref_slice %arg4[%mul3A_11] : memref<10240xf32, #tpu.memory_space<hbm>> -> memref<640xf32, #tpu.memory_space<hbm>>
        %dma_start3A_32 = tpu.memref_slice %arg5[%mul3A_11] : memref<10240xf32, #tpu.memory_space<vmem_shared>> -> memref<640xf32, #tpu.memory_space<vmem_shared>>
        tpu.enqueue_dma source(%dma_start3A_32 : memref<640xf32, #tpu.memory_space<vmem_shared>>) target(%dma_start3A : memref<640xf32, #tpu.memory_space<hbm>>) target_semaphore(%run_scoped3A : memref<!tpu.dma_semaphore, #tpu.memory_space<semaphore_mem>>)
        %dma_wait3A = tpu.memref_slice %arg4[%mul3A_11] : memref<10240xf32, #tpu.memory_space<hbm>> -> memref<640xf32, #tpu.memory_space<hbm>>
        %dma_wait3A_33 = tpu.memref_slice %arg5[%mul3A_11] : memref<10240xf32, #tpu.memory_space<vmem_shared>> -> memref<640xf32, #tpu.memory_space<vmem_shared>>
        tpu.wait_dma2 semaphore(%run_scoped3A : memref<!tpu.dma_semaphore, #tpu.memory_space<semaphore_mem>>) src(%dma_wait3A_33 : memref<640xf32, #tpu.memory_space<vmem_shared>>) dst(%dma_wait3A : memref<640xf32, #tpu.memory_space<hbm>>)
        tpu.yield
      }) : () -> ()
    } else {
    }
    return
  }
}

#map = affine_map<(d0, d1) -> (0)>
#map1 = affine_map<(d0, d1) -> (0, 0)>
module attributes {stable_mosaic.version = 14 : i64} {
  func.func @_scat_body(%arg0: i32, %arg1: i32, %arg2: memref<327680xi32, #tpu.memory_space<hbm>>, %arg3: memref<327680xi32, #tpu.memory_space<hbm>>, %arg4: memref<10240x128xf32, #tpu.memory_space<hbm>>, %arg5: memref<10240x128xf32, #tpu.memory_space<hbm>>, %arg6: memref<10240x128xf32, #tpu.memory_space<hbm>>, %arg7: memref<10240x128xf32, #tpu.memory_space<hbm>>, %arg8: memref<10240x128xf32, #tpu.memory_space<vmem_shared>>, %arg9: memref<128x128xf32, #tpu.memory_space<vmem>>, %arg10: memref<128x128xf32, #tpu.memory_space<vmem>>, %arg11: memref<128xi32, #tpu.memory_space<vmem>>, %arg12: memref<128xi32, #tpu.memory_space<vmem>>, %arg13: memref<128xi32, #tpu.memory_space<vmem>>, %arg14: memref<128xi32, #tpu.memory_space<vmem>>, %arg15: memref<!tpu.dma_semaphore, #tpu.memory_space<semaphore_mem>>, %arg16: memref<!tpu.dma_semaphore, #tpu.memory_space<semaphore_mem>>, %arg17: memref<!tpu.dma_semaphore, #tpu.memory_space<semaphore_mem>>, %arg18: memref<!tpu.dma_semaphore, #tpu.memory_space<semaphore_mem>>) attributes {dimension_semantics = [#tpu.dimension_semantics<core_parallel>, #tpu.dimension_semantics<subcore_parallel>], iteration_bounds = array<i64: 2, 16>, scalar_prefetch = 0 : i64, scratch_operands = 11 : i64, tpu.core_type = #tpu.core_type<sc_vector_subcore>, window_params = [{transform_indices = #map}, {transform_indices = #map}, {transform_indices = #map1}, {transform_indices = #map1}, {transform_indices = #map1}, {transform_indices = #map1}]} {
    %mul3A = arith.constant 16 : i32
    %mul3A_0 = arith.muli %arg0, %mul3A : i32
    %add3A = arith.addi %mul3A_0, %arg1 : i32
    %mul3A_1 = arith.constant 80 : i32
    %mul3A_2 = arith.muli %add3A, %mul3A_1 : i32
    %mul3A_3 = arith.constant 128 : i32
    %mul3A_4 = arith.muli %mul3A_2, %mul3A_3 : i32
    %mul3A_5 = arith.constant 640 : i32
    %mul3A_6 = arith.muli %arg1, %mul3A_5 : i32
    "tpu.region"() ({
      %run_scoped3A = tpu.sem_alloc : memref<!tpu.dma_semaphore, #tpu.memory_space<semaphore_mem>>
      %dma_start3A_40 = arith.constant 0 : i32
      %dma_start3A_41 = tpu.memref_slice %arg8[%mul3A_6, %dma_start3A_40] : memref<10240x128xf32, #tpu.memory_space<vmem_shared>> -> memref<640x128xf32, #tpu.memory_space<vmem_shared>>
      %dma_start3A_42 = arith.constant 0 : i32
      %dma_start3A_43 = tpu.memref_slice %arg5[%mul3A_6, %dma_start3A_42] : memref<10240x128xf32, #tpu.memory_space<hbm>> -> memref<640x128xf32, #tpu.memory_space<hbm>>
      tpu.enqueue_dma source(%dma_start3A_43 : memref<640x128xf32, #tpu.memory_space<hbm>>) target(%dma_start3A_41 : memref<640x128xf32, #tpu.memory_space<vmem_shared>>) target_semaphore(%run_scoped3A : memref<!tpu.dma_semaphore, #tpu.memory_space<semaphore_mem>>)
      %dma_wait3A_44 = arith.constant 0 : i32
      %dma_wait3A_45 = tpu.memref_slice %arg8[%mul3A_6, %dma_wait3A_44] : memref<10240x128xf32, #tpu.memory_space<vmem_shared>> -> memref<640x128xf32, #tpu.memory_space<vmem_shared>>
      %dma_wait3A_46 = arith.constant 0 : i32
      %dma_wait3A_47 = tpu.memref_slice %arg5[%mul3A_6, %dma_wait3A_46] : memref<10240x128xf32, #tpu.memory_space<hbm>> -> memref<640x128xf32, #tpu.memory_space<hbm>>
      tpu.wait_dma2 semaphore(%run_scoped3A : memref<!tpu.dma_semaphore, #tpu.memory_space<semaphore_mem>>) src(%dma_wait3A_47 : memref<640x128xf32, #tpu.memory_space<hbm>>) dst(%dma_wait3A_45 : memref<640x128xf32, #tpu.memory_space<vmem_shared>>)
      tpu.yield
    }) : () -> ()
    %barrier3A = arith.constant 0 : index
    tpu.barrier barrier_id(%barrier3A)
    %add3A_7 = arith.constant 0 : i32
    %add3A_8 = arith.addi %mul3A_4, %add3A_7 : i32
    %multiple_of3A = tpu.assume_multiple %add3A_8, 128 : i32
    %dma_start3A = tpu.memref_slice %arg2[%multiple_of3A] : memref<327680xi32, #tpu.memory_space<hbm>> -> memref<128xi32, #tpu.memory_space<hbm>>
    %dma_start3A_9 = tpu.memref_slice %arg2[%multiple_of3A] : memref<327680xi32, #tpu.memory_space<hbm>> -> memref<128xi32, #tpu.memory_space<hbm>>
    tpu.enqueue_dma source(%dma_start3A_9 : memref<128xi32, #tpu.memory_space<hbm>>) target(%arg11 : memref<128xi32, #tpu.memory_space<vmem>>) target_semaphore(%arg17 : memref<!tpu.dma_semaphore, #tpu.memory_space<semaphore_mem>>)
    %dma_start3A_10 = tpu.memref_slice %arg3[%multiple_of3A] : memref<327680xi32, #tpu.memory_space<hbm>> -> memref<128xi32, #tpu.memory_space<hbm>>
    %dma_start3A_11 = tpu.memref_slice %arg3[%multiple_of3A] : memref<327680xi32, #tpu.memory_space<hbm>> -> memref<128xi32, #tpu.memory_space<hbm>>
    tpu.enqueue_dma source(%dma_start3A_11 : memref<128xi32, #tpu.memory_space<hbm>>) target(%arg12 : memref<128xi32, #tpu.memory_space<vmem>>) target_semaphore(%arg17 : memref<!tpu.dma_semaphore, #tpu.memory_space<semaphore_mem>>)
    %add3A_12 = arith.constant 128 : i32
    %add3A_13 = arith.addi %mul3A_4, %add3A_12 : i32
    %multiple_of3A_14 = tpu.assume_multiple %add3A_13, 128 : i32
    %dma_start3A_15 = tpu.memref_slice %arg2[%multiple_of3A_14] : memref<327680xi32, #tpu.memory_space<hbm>> -> memref<128xi32, #tpu.memory_space<hbm>>
    %dma_start3A_16 = tpu.memref_slice %arg2[%multiple_of3A_14] : memref<327680xi32, #tpu.memory_space<hbm>> -> memref<128xi32, #tpu.memory_space<hbm>>
    tpu.enqueue_dma source(%dma_start3A_16 : memref<128xi32, #tpu.memory_space<hbm>>) target(%arg13 : memref<128xi32, #tpu.memory_space<vmem>>) target_semaphore(%arg18 : memref<!tpu.dma_semaphore, #tpu.memory_space<semaphore_mem>>)
    %dma_start3A_17 = tpu.memref_slice %arg3[%multiple_of3A_14] : memref<327680xi32, #tpu.memory_space<hbm>> -> memref<128xi32, #tpu.memory_space<hbm>>
    %dma_start3A_18 = tpu.memref_slice %arg3[%multiple_of3A_14] : memref<327680xi32, #tpu.memory_space<hbm>> -> memref<128xi32, #tpu.memory_space<hbm>>
    tpu.enqueue_dma source(%dma_start3A_18 : memref<128xi32, #tpu.memory_space<hbm>>) target(%arg14 : memref<128xi32, #tpu.memory_space<vmem>>) target_semaphore(%arg18 : memref<!tpu.dma_semaphore, #tpu.memory_space<semaphore_mem>>)
    %add3A_19 = arith.constant 0 : i32
    %add3A_20 = arith.addi %mul3A_4, %add3A_19 : i32
    %multiple_of3A_21 = tpu.assume_multiple %add3A_20, 128 : i32
    %dma_wait3A = tpu.memref_slice %arg2[%multiple_of3A_21] : memref<327680xi32, #tpu.memory_space<hbm>> -> memref<128xi32, #tpu.memory_space<hbm>>
    %dma_wait3A_22 = tpu.memref_slice %arg2[%multiple_of3A_21] : memref<327680xi32, #tpu.memory_space<hbm>> -> memref<128xi32, #tpu.memory_space<hbm>>
    tpu.wait_dma2 semaphore(%arg17 : memref<!tpu.dma_semaphore, #tpu.memory_space<semaphore_mem>>) src(%dma_wait3A_22 : memref<128xi32, #tpu.memory_space<hbm>>) dst(%arg11 : memref<128xi32, #tpu.memory_space<vmem>>)
    %dma_wait3A_23 = tpu.memref_slice %arg3[%multiple_of3A_21] : memref<327680xi32, #tpu.memory_space<hbm>> -> memref<128xi32, #tpu.memory_space<hbm>>
    %dma_wait3A_24 = tpu.memref_slice %arg3[%multiple_of3A_21] : memref<327680xi32, #tpu.memory_space<hbm>> -> memref<128xi32, #tpu.memory_space<hbm>>
    tpu.wait_dma2 semaphore(%arg17 : memref<!tpu.dma_semaphore, #tpu.memory_space<semaphore_mem>>) src(%dma_wait3A_24 : memref<128xi32, #tpu.memory_space<hbm>>) dst(%arg12 : memref<128xi32, #tpu.memory_space<vmem>>)
    %dma_start3A_25 = arith.constant 0 : i32
    %dma_start3A_26 = arith.constant 0 : i32
    %dma_start3A_27 = tpu.memref_slice %arg4[%dma_start3A_25, %dma_start3A_26] : memref<10240x128xf32, #tpu.memory_space<hbm>> -> memref<10240x128xf32, #tpu.memory_space<hbm>>
    tpu.enqueue_indirect_dma source(%dma_start3A_27 : memref<10240x128xf32, #tpu.memory_space<hbm>>) target(%arg9 : memref<128x128xf32, #tpu.memory_space<vmem>>) offsets(%arg11 : memref<128xi32, #tpu.memory_space<vmem>>) semaphore(%arg15 : memref<!tpu.dma_semaphore, #tpu.memory_space<semaphore_mem>>)
    %scan3A = arith.constant 0 : i32
    %scan3A_28 = arith.constant 40 : i32
    %scan3A_29 = arith.addi %scan3A, %scan3A_28 : i32
    %scan3A_30 = arith.constant 1 : i32
    scf.for %scan3A_40 = %scan3A to %scan3A_29 step %scan3A_30  : i32 {
      %mul3A_41 = arith.constant 2 : i32
      %mul3A_42 = arith.muli %mul3A_41, %scan3A_40 : i32
      %add3A_43 = arith.constant 1 : i32
      %add3A_44 = arith.addi %mul3A_42, %add3A_43 : i32
      %lt3A = arith.constant 80 : i32
      %lt3A_45 = arith.cmpi slt, %add3A_44, %lt3A : i32
      %convert_element_type3A_46 = arith.extui %lt3A_45 : i1 to i32
      %cond3A_47 = arith.constant 0 : i32
      %cond3A_48 = arith.cmpi ne, %convert_element_type3A_46, %cond3A_47 : i32
      scf.if %cond3A_48 {
        %add3A_80 = arith.constant 1 : i32
        %add3A_81 = arith.addi %mul3A_42, %add3A_80 : i32
        %mul3A_82 = arith.constant 128 : i32
        %mul3A_83 = arith.muli %add3A_81, %mul3A_82 : i32
        %add3A_84 = arith.addi %mul3A_4, %mul3A_83 : i32
        %multiple_of3A_85 = tpu.assume_multiple %add3A_84, 128 : i32
        %dma_wait3A_86 = tpu.memref_slice %arg2[%multiple_of3A_85] : memref<327680xi32, #tpu.memory_space<hbm>> -> memref<128xi32, #tpu.memory_space<hbm>>
        %dma_wait3A_87 = tpu.memref_slice %arg2[%multiple_of3A_85] : memref<327680xi32, #tpu.memory_space<hbm>> -> memref<128xi32, #tpu.memory_space<hbm>>
        tpu.wait_dma2 semaphore(%arg18 : memref<!tpu.dma_semaphore, #tpu.memory_space<semaphore_mem>>) src(%dma_wait3A_87 : memref<128xi32, #tpu.memory_space<hbm>>) dst(%arg13 : memref<128xi32, #tpu.memory_space<vmem>>)
        %dma_wait3A_88 = tpu.memref_slice %arg3[%multiple_of3A_85] : memref<327680xi32, #tpu.memory_space<hbm>> -> memref<128xi32, #tpu.memory_space<hbm>>
        %dma_wait3A_89 = tpu.memref_slice %arg3[%multiple_of3A_85] : memref<327680xi32, #tpu.memory_space<hbm>> -> memref<128xi32, #tpu.memory_space<hbm>>
        tpu.wait_dma2 semaphore(%arg18 : memref<!tpu.dma_semaphore, #tpu.memory_space<semaphore_mem>>) src(%dma_wait3A_89 : memref<128xi32, #tpu.memory_space<hbm>>) dst(%arg14 : memref<128xi32, #tpu.memory_space<vmem>>)
        %dma_start3A_90 = arith.constant 0 : i32
        %dma_start3A_91 = arith.constant 0 : i32
        %dma_start3A_92 = tpu.memref_slice %arg4[%dma_start3A_90, %dma_start3A_91] : memref<10240x128xf32, #tpu.memory_space<hbm>> -> memref<10240x128xf32, #tpu.memory_space<hbm>>
        tpu.enqueue_indirect_dma source(%dma_start3A_92 : memref<10240x128xf32, #tpu.memory_space<hbm>>) target(%arg10 : memref<128x128xf32, #tpu.memory_space<vmem>>) offsets(%arg13 : memref<128xi32, #tpu.memory_space<vmem>>) semaphore(%arg16 : memref<!tpu.dma_semaphore, #tpu.memory_space<semaphore_mem>>)
      } else {
      }
      %dma_wait3A_49 = arith.constant 0 : i32
      %dma_wait3A_50 = arith.constant 0 : i32
      %dma_wait3A_51 = tpu.memref_slice %arg4[%dma_wait3A_49, %dma_wait3A_50] : memref<10240x128xf32, #tpu.memory_space<hbm>> -> memref<10240x128xf32, #tpu.memory_space<hbm>>
      tpu.wait_indirect_dma semaphore(%arg15 : memref<!tpu.dma_semaphore, #tpu.memory_space<semaphore_mem>>) src(%dma_wait3A_51 : memref<10240x128xf32, #tpu.memory_space<hbm>>) dst(%arg9 : memref<128x128xf32, #tpu.memory_space<vmem>>)
      "tpu.region"() ({
        %run_scoped3A = tpu.sem_alloc : memref<!tpu.dma_semaphore, #tpu.memory_space<semaphore_mem>>
        %dma_start3A_80 = arith.constant 0 : i32
        %dma_start3A_81 = arith.constant 0 : i32
        %dma_start3A_82 = tpu.memref_slice %arg8[%dma_start3A_80, %dma_start3A_81] : memref<10240x128xf32, #tpu.memory_space<vmem_shared>> -> memref<10240x128xf32, #tpu.memory_space<vmem_shared>>
        tpu.enqueue_indirect_dma source(%arg9 : memref<128x128xf32, #tpu.memory_space<vmem>>) target(%dma_start3A_82 : memref<10240x128xf32, #tpu.memory_space<vmem_shared>>) offsets(%arg12 : memref<128xi32, #tpu.memory_space<vmem>>) semaphore(%run_scoped3A : memref<!tpu.dma_semaphore, #tpu.memory_space<semaphore_mem>>) {add = true}
        %dma_wait3A_83 = arith.constant 0 : i32
        %dma_wait3A_84 = arith.constant 0 : i32
        %dma_wait3A_85 = tpu.memref_slice %arg8[%dma_wait3A_83, %dma_wait3A_84] : memref<10240x128xf32, #tpu.memory_space<vmem_shared>> -> memref<10240x128xf32, #tpu.memory_space<vmem_shared>>
        tpu.wait_indirect_dma semaphore(%run_scoped3A : memref<!tpu.dma_semaphore, #tpu.memory_space<semaphore_mem>>) src(%arg9 : memref<128x128xf32, #tpu.memory_space<vmem>>) dst(%dma_wait3A_85 : memref<10240x128xf32, #tpu.memory_space<vmem_shared>>)
        tpu.yield
      }) : () -> ()
      %add3A_52 = arith.constant 2 : i32
      %add3A_53 = arith.addi %mul3A_42, %add3A_52 : i32
      %lt3A_54 = arith.constant 80 : i32
      %lt3A_55 = arith.cmpi slt, %add3A_53, %lt3A_54 : i32
      %convert_element_type3A_56 = arith.extui %lt3A_55 : i1 to i32
      %cond3A_57 = arith.constant 0 : i32
      %cond3A_58 = arith.cmpi ne, %convert_element_type3A_56, %cond3A_57 : i32
      scf.if %cond3A_58 {
        %add3A_80 = arith.constant 2 : i32
        %add3A_81 = arith.addi %mul3A_42, %add3A_80 : i32
        %mul3A_82 = arith.constant 128 : i32
        %mul3A_83 = arith.muli %add3A_81, %mul3A_82 : i32
        %add3A_84 = arith.addi %mul3A_4, %mul3A_83 : i32
        %multiple_of3A_85 = tpu.assume_multiple %add3A_84, 128 : i32
        %dma_start3A_86 = tpu.memref_slice %arg2[%multiple_of3A_85] : memref<327680xi32, #tpu.memory_space<hbm>> -> memref<128xi32, #tpu.memory_space<hbm>>
        %dma_start3A_87 = tpu.memref_slice %arg2[%multiple_of3A_85] : memref<327680xi32, #tpu.memory_space<hbm>> -> memref<128xi32, #tpu.memory_space<hbm>>
        tpu.enqueue_dma source(%dma_start3A_87 : memref<128xi32, #tpu.memory_space<hbm>>) target(%arg11 : memref<128xi32, #tpu.memory_space<vmem>>) target_semaphore(%arg17 : memref<!tpu.dma_semaphore, #tpu.memory_space<semaphore_mem>>)
        %dma_start3A_88 = tpu.memref_slice %arg3[%multiple_of3A_85] : memref<327680xi32, #tpu.memory_space<hbm>> -> memref<128xi32, #tpu.memory_space<hbm>>
        %dma_start3A_89 = tpu.memref_slice %arg3[%multiple_of3A_85] : memref<327680xi32, #tpu.memory_space<hbm>> -> memref<128xi32, #tpu.memory_space<hbm>>
        tpu.enqueue_dma source(%dma_start3A_89 : memref<128xi32, #tpu.memory_space<hbm>>) target(%arg12 : memref<128xi32, #tpu.memory_space<vmem>>) target_semaphore(%arg17 : memref<!tpu.dma_semaphore, #tpu.memory_space<semaphore_mem>>)
      } else {
      }
      %mul3A_59 = arith.constant 2 : i32
      %mul3A_60 = arith.muli %mul3A_59, %scan3A_40 : i32
      %add3A_61 = arith.constant 1 : i32
      %add3A_62 = arith.addi %mul3A_60, %add3A_61 : i32
      %add3A_63 = arith.constant 1 : i32
      %add3A_64 = arith.addi %add3A_62, %add3A_63 : i32
      %lt3A_65 = arith.constant 80 : i32
      %lt3A_66 = arith.cmpi slt, %add3A_64, %lt3A_65 : i32
      %convert_element_type3A_67 = arith.extui %lt3A_66 : i1 to i32
      %cond3A_68 = arith.constant 0 : i32
      %cond3A_69 = arith.cmpi ne, %convert_element_type3A_67, %cond3A_68 : i32
      scf.if %cond3A_69 {
        %add3A_80 = arith.constant 1 : i32
        %add3A_81 = arith.addi %add3A_62, %add3A_80 : i32
        %mul3A_82 = arith.constant 128 : i32
        %mul3A_83 = arith.muli %add3A_81, %mul3A_82 : i32
        %add3A_84 = arith.addi %mul3A_4, %mul3A_83 : i32
        %multiple_of3A_85 = tpu.assume_multiple %add3A_84, 128 : i32
        %dma_wait3A_86 = tpu.memref_slice %arg2[%multiple_of3A_85] : memref<327680xi32, #tpu.memory_space<hbm>> -> memref<128xi32, #tpu.memory_space<hbm>>
        %dma_wait3A_87 = tpu.memref_slice %arg2[%multiple_of3A_85] : memref<327680xi32, #tpu.memory_space<hbm>> -> memref<128xi32, #tpu.memory_space<hbm>>
        tpu.wait_dma2 semaphore(%arg17 : memref<!tpu.dma_semaphore, #tpu.memory_space<semaphore_mem>>) src(%dma_wait3A_87 : memref<128xi32, #tpu.memory_space<hbm>>) dst(%arg11 : memref<128xi32, #tpu.memory_space<vmem>>)
        %dma_wait3A_88 = tpu.memref_slice %arg3[%multiple_of3A_85] : memref<327680xi32, #tpu.memory_space<hbm>> -> memref<128xi32, #tpu.memory_space<hbm>>
        %dma_wait3A_89 = tpu.memref_slice %arg3[%multiple_of3A_85] : memref<327680xi32, #tpu.memory_space<hbm>> -> memref<128xi32, #tpu.memory_space<hbm>>
        tpu.wait_dma2 semaphore(%arg17 : memref<!tpu.dma_semaphore, #tpu.memory_space<semaphore_mem>>) src(%dma_wait3A_89 : memref<128xi32, #tpu.memory_space<hbm>>) dst(%arg12 : memref<128xi32, #tpu.memory_space<vmem>>)
        %dma_start3A_90 = arith.constant 0 : i32
        %dma_start3A_91 = arith.constant 0 : i32
        %dma_start3A_92 = tpu.memref_slice %arg4[%dma_start3A_90, %dma_start3A_91] : memref<10240x128xf32, #tpu.memory_space<hbm>> -> memref<10240x128xf32, #tpu.memory_space<hbm>>
        tpu.enqueue_indirect_dma source(%dma_start3A_92 : memref<10240x128xf32, #tpu.memory_space<hbm>>) target(%arg9 : memref<128x128xf32, #tpu.memory_space<vmem>>) offsets(%arg11 : memref<128xi32, #tpu.memory_space<vmem>>) semaphore(%arg15 : memref<!tpu.dma_semaphore, #tpu.memory_space<semaphore_mem>>)
      } else {
      }
      %dma_wait3A_70 = arith.constant 0 : i32
      %dma_wait3A_71 = arith.constant 0 : i32
      %dma_wait3A_72 = tpu.memref_slice %arg4[%dma_wait3A_70, %dma_wait3A_71] : memref<10240x128xf32, #tpu.memory_space<hbm>> -> memref<10240x128xf32, #tpu.memory_space<hbm>>
      tpu.wait_indirect_dma semaphore(%arg16 : memref<!tpu.dma_semaphore, #tpu.memory_space<semaphore_mem>>) src(%dma_wait3A_72 : memref<10240x128xf32, #tpu.memory_space<hbm>>) dst(%arg10 : memref<128x128xf32, #tpu.memory_space<vmem>>)
      "tpu.region"() ({
        %run_scoped3A = tpu.sem_alloc : memref<!tpu.dma_semaphore, #tpu.memory_space<semaphore_mem>>
        %dma_start3A_80 = arith.constant 0 : i32
        %dma_start3A_81 = arith.constant 0 : i32
        %dma_start3A_82 = tpu.memref_slice %arg8[%dma_start3A_80, %dma_start3A_81] : memref<10240x128xf32, #tpu.memory_space<vmem_shared>> -> memref<10240x128xf32, #tpu.memory_space<vmem_shared>>
        tpu.enqueue_indirect_dma source(%arg10 : memref<128x128xf32, #tpu.memory_space<vmem>>) target(%dma_start3A_82 : memref<10240x128xf32, #tpu.memory_space<vmem_shared>>) offsets(%arg14 : memref<128xi32, #tpu.memory_space<vmem>>) semaphore(%run_scoped3A : memref<!tpu.dma_semaphore, #tpu.memory_space<semaphore_mem>>) {add = true}
        %dma_wait3A_83 = arith.constant 0 : i32
        %dma_wait3A_84 = arith.constant 0 : i32
        %dma_wait3A_85 = tpu.memref_slice %arg8[%dma_wait3A_83, %dma_wait3A_84] : memref<10240x128xf32, #tpu.memory_space<vmem_shared>> -> memref<10240x128xf32, #tpu.memory_space<vmem_shared>>
        tpu.wait_indirect_dma semaphore(%run_scoped3A : memref<!tpu.dma_semaphore, #tpu.memory_space<semaphore_mem>>) src(%arg10 : memref<128x128xf32, #tpu.memory_space<vmem>>) dst(%dma_wait3A_85 : memref<10240x128xf32, #tpu.memory_space<vmem_shared>>)
        tpu.yield
      }) : () -> ()
      %add3A_73 = arith.constant 2 : i32
      %add3A_74 = arith.addi %add3A_62, %add3A_73 : i32
      %lt3A_75 = arith.constant 80 : i32
      %lt3A_76 = arith.cmpi slt, %add3A_74, %lt3A_75 : i32
      %convert_element_type3A_77 = arith.extui %lt3A_76 : i1 to i32
      %cond3A_78 = arith.constant 0 : i32
      %cond3A_79 = arith.cmpi ne, %convert_element_type3A_77, %cond3A_78 : i32
      scf.if %cond3A_79 {
        %add3A_80 = arith.constant 2 : i32
        %add3A_81 = arith.addi %add3A_62, %add3A_80 : i32
        %mul3A_82 = arith.constant 128 : i32
        %mul3A_83 = arith.muli %add3A_81, %mul3A_82 : i32
        %add3A_84 = arith.addi %mul3A_4, %mul3A_83 : i32
        %multiple_of3A_85 = tpu.assume_multiple %add3A_84, 128 : i32
        %dma_start3A_86 = tpu.memref_slice %arg2[%multiple_of3A_85] : memref<327680xi32, #tpu.memory_space<hbm>> -> memref<128xi32, #tpu.memory_space<hbm>>
        %dma_start3A_87 = tpu.memref_slice %arg2[%multiple_of3A_85] : memref<327680xi32, #tpu.memory_space<hbm>> -> memref<128xi32, #tpu.memory_space<hbm>>
        tpu.enqueue_dma source(%dma_start3A_87 : memref<128xi32, #tpu.memory_space<hbm>>) target(%arg13 : memref<128xi32, #tpu.memory_space<vmem>>) target_semaphore(%arg18 : memref<!tpu.dma_semaphore, #tpu.memory_space<semaphore_mem>>)
        %dma_start3A_88 = tpu.memref_slice %arg3[%multiple_of3A_85] : memref<327680xi32, #tpu.memory_space<hbm>> -> memref<128xi32, #tpu.memory_space<hbm>>
        %dma_start3A_89 = tpu.memref_slice %arg3[%multiple_of3A_85] : memref<327680xi32, #tpu.memory_space<hbm>> -> memref<128xi32, #tpu.memory_space<hbm>>
        tpu.enqueue_dma source(%dma_start3A_89 : memref<128xi32, #tpu.memory_space<hbm>>) target(%arg14 : memref<128xi32, #tpu.memory_space<vmem>>) target_semaphore(%arg18 : memref<!tpu.dma_semaphore, #tpu.memory_space<semaphore_mem>>)
      } else {
      }
    }
    %scan3A_31 = arith.constant 40 : i32
    %barrier3A_32 = arith.constant 0 : index
    tpu.barrier barrier_id(%barrier3A_32)
    %eq3A = arith.constant 0 : i32
    %eq3A_33 = arith.cmpi eq, %arg0, %eq3A : i32
    %convert_element_type3A = arith.extui %eq3A_33 : i1 to i32
    %cond3A = arith.constant 0 : i32
    %cond3A_34 = arith.cmpi ne, %convert_element_type3A, %cond3A : i32
    scf.if %cond3A_34 {
      "tpu.region"() ({
        %run_scoped3A = tpu.sem_alloc : memref<!tpu.dma_semaphore, #tpu.memory_space<semaphore_mem>>
        %dma_start3A_40 = arith.constant 0 : i32
        %dma_start3A_41 = tpu.memref_slice %arg6[%mul3A_6, %dma_start3A_40] : memref<10240x128xf32, #tpu.memory_space<hbm>> -> memref<640x128xf32, #tpu.memory_space<hbm>>
        %dma_start3A_42 = arith.constant 0 : i32
        %dma_start3A_43 = tpu.memref_slice %arg8[%mul3A_6, %dma_start3A_42] : memref<10240x128xf32, #tpu.memory_space<vmem_shared>> -> memref<640x128xf32, #tpu.memory_space<vmem_shared>>
        tpu.enqueue_dma source(%dma_start3A_43 : memref<640x128xf32, #tpu.memory_space<vmem_shared>>) target(%dma_start3A_41 : memref<640x128xf32, #tpu.memory_space<hbm>>) target_semaphore(%run_scoped3A : memref<!tpu.dma_semaphore, #tpu.memory_space<semaphore_mem>>)
        %dma_wait3A_44 = arith.constant 0 : i32
        %dma_wait3A_45 = tpu.memref_slice %arg6[%mul3A_6, %dma_wait3A_44] : memref<10240x128xf32, #tpu.memory_space<hbm>> -> memref<640x128xf32, #tpu.memory_space<hbm>>
        %dma_wait3A_46 = arith.constant 0 : i32
        %dma_wait3A_47 = tpu.memref_slice %arg8[%mul3A_6, %dma_wait3A_46] : memref<10240x128xf32, #tpu.memory_space<vmem_shared>> -> memref<640x128xf32, #tpu.memory_space<vmem_shared>>
        tpu.wait_dma2 semaphore(%run_scoped3A : memref<!tpu.dma_semaphore, #tpu.memory_space<semaphore_mem>>) src(%dma_wait3A_47 : memref<640x128xf32, #tpu.memory_space<vmem_shared>>) dst(%dma_wait3A_45 : memref<640x128xf32, #tpu.memory_space<hbm>>)
        tpu.yield
      }) : () -> ()
    } else {
    }
    %eq3A_35 = arith.constant 1 : i32
    %eq3A_36 = arith.cmpi eq, %arg0, %eq3A_35 : i32
    %convert_element_type3A_37 = arith.extui %eq3A_36 : i1 to i32
    %cond3A_38 = arith.constant 0 : i32
    %cond3A_39 = arith.cmpi ne, %convert_element_type3A_37, %cond3A_38 : i32
    scf.if %cond3A_39 {
      "tpu.region"() ({
        %run_scoped3A = tpu.sem_alloc : memref<!tpu.dma_semaphore, #tpu.memory_space<semaphore_mem>>
        %dma_start3A_40 = arith.constant 0 : i32
        %dma_start3A_41 = tpu.memref_slice %arg7[%mul3A_6, %dma_start3A_40] : memref<10240x128xf32, #tpu.memory_space<hbm>> -> memref<640x128xf32, #tpu.memory_space<hbm>>
        %dma_start3A_42 = arith.constant 0 : i32
        %dma_start3A_43 = tpu.memref_slice %arg8[%mul3A_6, %dma_start3A_42] : memref<10240x128xf32, #tpu.memory_space<vmem_shared>> -> memref<640x128xf32, #tpu.memory_space<vmem_shared>>
        tpu.enqueue_dma source(%dma_start3A_43 : memref<640x128xf32, #tpu.memory_space<vmem_shared>>) target(%dma_start3A_41 : memref<640x128xf32, #tpu.memory_space<hbm>>) target_semaphore(%run_scoped3A : memref<!tpu.dma_semaphore, #tpu.memory_space<semaphore_mem>>)
        %dma_wait3A_44 = arith.constant 0 : i32
        %dma_wait3A_45 = tpu.memref_slice %arg7[%mul3A_6, %dma_wait3A_44] : memref<10240x128xf32, #tpu.memory_space<hbm>> -> memref<640x128xf32, #tpu.memory_space<hbm>>
        %dma_wait3A_46 = arith.constant 0 : i32
        %dma_wait3A_47 = tpu.memref_slice %arg8[%mul3A_6, %dma_wait3A_46] : memref<10240x128xf32, #tpu.memory_space<vmem_shared>> -> memref<640x128xf32, #tpu.memory_space<vmem_shared>>
        tpu.wait_dma2 semaphore(%run_scoped3A : memref<!tpu.dma_semaphore, #tpu.memory_space<semaphore_mem>>) src(%dma_wait3A_47 : memref<640x128xf32, #tpu.memory_space<vmem_shared>>) dst(%dma_wait3A_45 : memref<640x128xf32, #tpu.memory_space<hbm>>)
        tpu.yield
      }) : () -> ()
    } else {
    }
    return
  }
}

#map = affine_map<(d0, d1) -> (0)>
#map1 = affine_map<(d0, d1) -> (0, 0)>
module attributes {stable_mosaic.version = 14 : i64} {
  func.func @_scat_body(%arg0: i32, %arg1: i32, %arg2: memref<327680xi32, #tpu.memory_space<hbm>>, %arg3: memref<327680xi32, #tpu.memory_space<hbm>>, %arg4: memref<10240x128xf32, #tpu.memory_space<hbm>>, %arg5: memref<10240x128xf32, #tpu.memory_space<hbm>>, %arg6: memref<10240x128xf32, #tpu.memory_space<hbm>>, %arg7: memref<10240x128xf32, #tpu.memory_space<hbm>>, %arg8: memref<10240x128xf32, #tpu.memory_space<vmem_shared>>, %arg9: memref<128x128xf32, #tpu.memory_space<vmem>>, %arg10: memref<128x128xf32, #tpu.memory_space<vmem>>, %arg11: memref<128xi32, #tpu.memory_space<vmem>>, %arg12: memref<128xi32, #tpu.memory_space<vmem>>, %arg13: memref<128xi32, #tpu.memory_space<vmem>>, %arg14: memref<128xi32, #tpu.memory_space<vmem>>, %arg15: memref<!tpu.dma_semaphore, #tpu.memory_space<semaphore_mem>>, %arg16: memref<!tpu.dma_semaphore, #tpu.memory_space<semaphore_mem>>, %arg17: memref<!tpu.dma_semaphore, #tpu.memory_space<semaphore_mem>>, %arg18: memref<!tpu.dma_semaphore, #tpu.memory_space<semaphore_mem>>) attributes {dimension_semantics = [#tpu.dimension_semantics<core_parallel>, #tpu.dimension_semantics<subcore_parallel>], iteration_bounds = array<i64: 2, 16>, scalar_prefetch = 0 : i64, scratch_operands = 11 : i64, tpu.core_type = #tpu.core_type<sc_vector_subcore>, window_params = [{transform_indices = #map}, {transform_indices = #map}, {transform_indices = #map1}, {transform_indices = #map1}, {transform_indices = #map1}, {transform_indices = #map1}]} {
    %mul3A = arith.constant 16 : i32
    %mul3A_0 = arith.muli %arg0, %mul3A : i32
    %add3A = arith.addi %mul3A_0, %arg1 : i32
    %mul3A_1 = arith.constant 80 : i32
    %mul3A_2 = arith.muli %add3A, %mul3A_1 : i32
    %mul3A_3 = arith.constant 128 : i32
    %mul3A_4 = arith.muli %mul3A_2, %mul3A_3 : i32
    %mul3A_5 = arith.constant 640 : i32
    %mul3A_6 = arith.muli %arg1, %mul3A_5 : i32
    "tpu.region"() ({
      %run_scoped3A = tpu.sem_alloc : memref<!tpu.dma_semaphore, #tpu.memory_space<semaphore_mem>>
      %dma_start3A_40 = arith.constant 0 : i32
      %dma_start3A_41 = tpu.memref_slice %arg8[%mul3A_6, %dma_start3A_40] : memref<10240x128xf32, #tpu.memory_space<vmem_shared>> -> memref<640x128xf32, #tpu.memory_space<vmem_shared>>
      %dma_start3A_42 = arith.constant 0 : i32
      %dma_start3A_43 = tpu.memref_slice %arg5[%mul3A_6, %dma_start3A_42] : memref<10240x128xf32, #tpu.memory_space<hbm>> -> memref<640x128xf32, #tpu.memory_space<hbm>>
      tpu.enqueue_dma source(%dma_start3A_43 : memref<640x128xf32, #tpu.memory_space<hbm>>) target(%dma_start3A_41 : memref<640x128xf32, #tpu.memory_space<vmem_shared>>) target_semaphore(%run_scoped3A : memref<!tpu.dma_semaphore, #tpu.memory_space<semaphore_mem>>)
      %dma_wait3A_44 = arith.constant 0 : i32
      %dma_wait3A_45 = tpu.memref_slice %arg8[%mul3A_6, %dma_wait3A_44] : memref<10240x128xf32, #tpu.memory_space<vmem_shared>> -> memref<640x128xf32, #tpu.memory_space<vmem_shared>>
      %dma_wait3A_46 = arith.constant 0 : i32
      %dma_wait3A_47 = tpu.memref_slice %arg5[%mul3A_6, %dma_wait3A_46] : memref<10240x128xf32, #tpu.memory_space<hbm>> -> memref<640x128xf32, #tpu.memory_space<hbm>>
      tpu.wait_dma2 semaphore(%run_scoped3A : memref<!tpu.dma_semaphore, #tpu.memory_space<semaphore_mem>>) src(%dma_wait3A_47 : memref<640x128xf32, #tpu.memory_space<hbm>>) dst(%dma_wait3A_45 : memref<640x128xf32, #tpu.memory_space<vmem_shared>>)
      tpu.yield
    }) : () -> ()
    %barrier3A = arith.constant 0 : index
    tpu.barrier barrier_id(%barrier3A)
    %add3A_7 = arith.constant 0 : i32
    %add3A_8 = arith.addi %mul3A_4, %add3A_7 : i32
    %multiple_of3A = tpu.assume_multiple %add3A_8, 128 : i32
    %dma_start3A = tpu.memref_slice %arg2[%multiple_of3A] : memref<327680xi32, #tpu.memory_space<hbm>> -> memref<128xi32, #tpu.memory_space<hbm>>
    %dma_start3A_9 = tpu.memref_slice %arg2[%multiple_of3A] : memref<327680xi32, #tpu.memory_space<hbm>> -> memref<128xi32, #tpu.memory_space<hbm>>
    tpu.enqueue_dma source(%dma_start3A_9 : memref<128xi32, #tpu.memory_space<hbm>>) target(%arg11 : memref<128xi32, #tpu.memory_space<vmem>>) target_semaphore(%arg17 : memref<!tpu.dma_semaphore, #tpu.memory_space<semaphore_mem>>)
    %dma_start3A_10 = tpu.memref_slice %arg3[%multiple_of3A] : memref<327680xi32, #tpu.memory_space<hbm>> -> memref<128xi32, #tpu.memory_space<hbm>>
    %dma_start3A_11 = tpu.memref_slice %arg3[%multiple_of3A] : memref<327680xi32, #tpu.memory_space<hbm>> -> memref<128xi32, #tpu.memory_space<hbm>>
    tpu.enqueue_dma source(%dma_start3A_11 : memref<128xi32, #tpu.memory_space<hbm>>) target(%arg12 : memref<128xi32, #tpu.memory_space<vmem>>) target_semaphore(%arg17 : memref<!tpu.dma_semaphore, #tpu.memory_space<semaphore_mem>>)
    %add3A_12 = arith.constant 128 : i32
    %add3A_13 = arith.addi %mul3A_4, %add3A_12 : i32
    %multiple_of3A_14 = tpu.assume_multiple %add3A_13, 128 : i32
    %dma_start3A_15 = tpu.memref_slice %arg2[%multiple_of3A_14] : memref<327680xi32, #tpu.memory_space<hbm>> -> memref<128xi32, #tpu.memory_space<hbm>>
    %dma_start3A_16 = tpu.memref_slice %arg2[%multiple_of3A_14] : memref<327680xi32, #tpu.memory_space<hbm>> -> memref<128xi32, #tpu.memory_space<hbm>>
    tpu.enqueue_dma source(%dma_start3A_16 : memref<128xi32, #tpu.memory_space<hbm>>) target(%arg13 : memref<128xi32, #tpu.memory_space<vmem>>) target_semaphore(%arg18 : memref<!tpu.dma_semaphore, #tpu.memory_space<semaphore_mem>>)
    %dma_start3A_17 = tpu.memref_slice %arg3[%multiple_of3A_14] : memref<327680xi32, #tpu.memory_space<hbm>> -> memref<128xi32, #tpu.memory_space<hbm>>
    %dma_start3A_18 = tpu.memref_slice %arg3[%multiple_of3A_14] : memref<327680xi32, #tpu.memory_space<hbm>> -> memref<128xi32, #tpu.memory_space<hbm>>
    tpu.enqueue_dma source(%dma_start3A_18 : memref<128xi32, #tpu.memory_space<hbm>>) target(%arg14 : memref<128xi32, #tpu.memory_space<vmem>>) target_semaphore(%arg18 : memref<!tpu.dma_semaphore, #tpu.memory_space<semaphore_mem>>)
    %add3A_19 = arith.constant 0 : i32
    %add3A_20 = arith.addi %mul3A_4, %add3A_19 : i32
    %multiple_of3A_21 = tpu.assume_multiple %add3A_20, 128 : i32
    %dma_wait3A = tpu.memref_slice %arg2[%multiple_of3A_21] : memref<327680xi32, #tpu.memory_space<hbm>> -> memref<128xi32, #tpu.memory_space<hbm>>
    %dma_wait3A_22 = tpu.memref_slice %arg2[%multiple_of3A_21] : memref<327680xi32, #tpu.memory_space<hbm>> -> memref<128xi32, #tpu.memory_space<hbm>>
    tpu.wait_dma2 semaphore(%arg17 : memref<!tpu.dma_semaphore, #tpu.memory_space<semaphore_mem>>) src(%dma_wait3A_22 : memref<128xi32, #tpu.memory_space<hbm>>) dst(%arg11 : memref<128xi32, #tpu.memory_space<vmem>>)
    %dma_wait3A_23 = tpu.memref_slice %arg3[%multiple_of3A_21] : memref<327680xi32, #tpu.memory_space<hbm>> -> memref<128xi32, #tpu.memory_space<hbm>>
    %dma_wait3A_24 = tpu.memref_slice %arg3[%multiple_of3A_21] : memref<327680xi32, #tpu.memory_space<hbm>> -> memref<128xi32, #tpu.memory_space<hbm>>
    tpu.wait_dma2 semaphore(%arg17 : memref<!tpu.dma_semaphore, #tpu.memory_space<semaphore_mem>>) src(%dma_wait3A_24 : memref<128xi32, #tpu.memory_space<hbm>>) dst(%arg12 : memref<128xi32, #tpu.memory_space<vmem>>)
    %dma_start3A_25 = arith.constant 0 : i32
    %dma_start3A_26 = arith.constant 0 : i32
    %dma_start3A_27 = tpu.memref_slice %arg4[%dma_start3A_25, %dma_start3A_26] : memref<10240x128xf32, #tpu.memory_space<hbm>> -> memref<10240x128xf32, #tpu.memory_space<hbm>>
    tpu.enqueue_indirect_dma source(%dma_start3A_27 : memref<10240x128xf32, #tpu.memory_space<hbm>>) target(%arg9 : memref<128x128xf32, #tpu.memory_space<vmem>>) offsets(%arg11 : memref<128xi32, #tpu.memory_space<vmem>>) semaphore(%arg15 : memref<!tpu.dma_semaphore, #tpu.memory_space<semaphore_mem>>)
    %scan3A = arith.constant 0 : i32
    %scan3A_28 = arith.constant 40 : i32
    %scan3A_29 = arith.addi %scan3A, %scan3A_28 : i32
    %scan3A_30 = arith.constant 1 : i32
    scf.for %scan3A_40 = %scan3A to %scan3A_29 step %scan3A_30  : i32 {
      %mul3A_41 = arith.constant 2 : i32
      %mul3A_42 = arith.muli %mul3A_41, %scan3A_40 : i32
      %add3A_43 = arith.constant 1 : i32
      %add3A_44 = arith.addi %mul3A_42, %add3A_43 : i32
      %lt3A = arith.constant 80 : i32
      %lt3A_45 = arith.cmpi slt, %add3A_44, %lt3A : i32
      %convert_element_type3A_46 = arith.extui %lt3A_45 : i1 to i32
      %cond3A_47 = arith.constant 0 : i32
      %cond3A_48 = arith.cmpi ne, %convert_element_type3A_46, %cond3A_47 : i32
      scf.if %cond3A_48 {
        %add3A_80 = arith.constant 1 : i32
        %add3A_81 = arith.addi %mul3A_42, %add3A_80 : i32
        %mul3A_82 = arith.constant 128 : i32
        %mul3A_83 = arith.muli %add3A_81, %mul3A_82 : i32
        %add3A_84 = arith.addi %mul3A_4, %mul3A_83 : i32
        %multiple_of3A_85 = tpu.assume_multiple %add3A_84, 128 : i32
        %dma_wait3A_86 = tpu.memref_slice %arg2[%multiple_of3A_85] : memref<327680xi32, #tpu.memory_space<hbm>> -> memref<128xi32, #tpu.memory_space<hbm>>
        %dma_wait3A_87 = tpu.memref_slice %arg2[%multiple_of3A_85] : memref<327680xi32, #tpu.memory_space<hbm>> -> memref<128xi32, #tpu.memory_space<hbm>>
        tpu.wait_dma2 semaphore(%arg18 : memref<!tpu.dma_semaphore, #tpu.memory_space<semaphore_mem>>) src(%dma_wait3A_87 : memref<128xi32, #tpu.memory_space<hbm>>) dst(%arg13 : memref<128xi32, #tpu.memory_space<vmem>>)
        %dma_wait3A_88 = tpu.memref_slice %arg3[%multiple_of3A_85] : memref<327680xi32, #tpu.memory_space<hbm>> -> memref<128xi32, #tpu.memory_space<hbm>>
        %dma_wait3A_89 = tpu.memref_slice %arg3[%multiple_of3A_85] : memref<327680xi32, #tpu.memory_space<hbm>> -> memref<128xi32, #tpu.memory_space<hbm>>
        tpu.wait_dma2 semaphore(%arg18 : memref<!tpu.dma_semaphore, #tpu.memory_space<semaphore_mem>>) src(%dma_wait3A_89 : memref<128xi32, #tpu.memory_space<hbm>>) dst(%arg14 : memref<128xi32, #tpu.memory_space<vmem>>)
        %dma_start3A_90 = arith.constant 0 : i32
        %dma_start3A_91 = arith.constant 0 : i32
        %dma_start3A_92 = tpu.memref_slice %arg4[%dma_start3A_90, %dma_start3A_91] : memref<10240x128xf32, #tpu.memory_space<hbm>> -> memref<10240x128xf32, #tpu.memory_space<hbm>>
        tpu.enqueue_indirect_dma source(%dma_start3A_92 : memref<10240x128xf32, #tpu.memory_space<hbm>>) target(%arg10 : memref<128x128xf32, #tpu.memory_space<vmem>>) offsets(%arg13 : memref<128xi32, #tpu.memory_space<vmem>>) semaphore(%arg16 : memref<!tpu.dma_semaphore, #tpu.memory_space<semaphore_mem>>)
      } else {
      }
      %dma_wait3A_49 = arith.constant 0 : i32
      %dma_wait3A_50 = arith.constant 0 : i32
      %dma_wait3A_51 = tpu.memref_slice %arg4[%dma_wait3A_49, %dma_wait3A_50] : memref<10240x128xf32, #tpu.memory_space<hbm>> -> memref<10240x128xf32, #tpu.memory_space<hbm>>
      tpu.wait_indirect_dma semaphore(%arg15 : memref<!tpu.dma_semaphore, #tpu.memory_space<semaphore_mem>>) src(%dma_wait3A_51 : memref<10240x128xf32, #tpu.memory_space<hbm>>) dst(%arg9 : memref<128x128xf32, #tpu.memory_space<vmem>>)
      "tpu.region"() ({
        %run_scoped3A = tpu.sem_alloc : memref<!tpu.dma_semaphore, #tpu.memory_space<semaphore_mem>>
        %dma_start3A_80 = arith.constant 0 : i32
        %dma_start3A_81 = arith.constant 0 : i32
        %dma_start3A_82 = tpu.memref_slice %arg8[%dma_start3A_80, %dma_start3A_81] : memref<10240x128xf32, #tpu.memory_space<vmem_shared>> -> memref<10240x128xf32, #tpu.memory_space<vmem_shared>>
        tpu.enqueue_indirect_dma source(%arg9 : memref<128x128xf32, #tpu.memory_space<vmem>>) target(%dma_start3A_82 : memref<10240x128xf32, #tpu.memory_space<vmem_shared>>) offsets(%arg12 : memref<128xi32, #tpu.memory_space<vmem>>) semaphore(%run_scoped3A : memref<!tpu.dma_semaphore, #tpu.memory_space<semaphore_mem>>) {add = true}
        %dma_wait3A_83 = arith.constant 0 : i32
        %dma_wait3A_84 = arith.constant 0 : i32
        %dma_wait3A_85 = tpu.memref_slice %arg8[%dma_wait3A_83, %dma_wait3A_84] : memref<10240x128xf32, #tpu.memory_space<vmem_shared>> -> memref<10240x128xf32, #tpu.memory_space<vmem_shared>>
        tpu.wait_indirect_dma semaphore(%run_scoped3A : memref<!tpu.dma_semaphore, #tpu.memory_space<semaphore_mem>>) src(%arg9 : memref<128x128xf32, #tpu.memory_space<vmem>>) dst(%dma_wait3A_85 : memref<10240x128xf32, #tpu.memory_space<vmem_shared>>)
        tpu.yield
      }) : () -> ()
      %add3A_52 = arith.constant 2 : i32
      %add3A_53 = arith.addi %mul3A_42, %add3A_52 : i32
      %lt3A_54 = arith.constant 80 : i32
      %lt3A_55 = arith.cmpi slt, %add3A_53, %lt3A_54 : i32
      %convert_element_type3A_56 = arith.extui %lt3A_55 : i1 to i32
      %cond3A_57 = arith.constant 0 : i32
      %cond3A_58 = arith.cmpi ne, %convert_element_type3A_56, %cond3A_57 : i32
      scf.if %cond3A_58 {
        %add3A_80 = arith.constant 2 : i32
        %add3A_81 = arith.addi %mul3A_42, %add3A_80 : i32
        %mul3A_82 = arith.constant 128 : i32
        %mul3A_83 = arith.muli %add3A_81, %mul3A_82 : i32
        %add3A_84 = arith.addi %mul3A_4, %mul3A_83 : i32
        %multiple_of3A_85 = tpu.assume_multiple %add3A_84, 128 : i32
        %dma_start3A_86 = tpu.memref_slice %arg2[%multiple_of3A_85] : memref<327680xi32, #tpu.memory_space<hbm>> -> memref<128xi32, #tpu.memory_space<hbm>>
        %dma_start3A_87 = tpu.memref_slice %arg2[%multiple_of3A_85] : memref<327680xi32, #tpu.memory_space<hbm>> -> memref<128xi32, #tpu.memory_space<hbm>>
        tpu.enqueue_dma source(%dma_start3A_87 : memref<128xi32, #tpu.memory_space<hbm>>) target(%arg11 : memref<128xi32, #tpu.memory_space<vmem>>) target_semaphore(%arg17 : memref<!tpu.dma_semaphore, #tpu.memory_space<semaphore_mem>>)
        %dma_start3A_88 = tpu.memref_slice %arg3[%multiple_of3A_85] : memref<327680xi32, #tpu.memory_space<hbm>> -> memref<128xi32, #tpu.memory_space<hbm>>
        %dma_start3A_89 = tpu.memref_slice %arg3[%multiple_of3A_85] : memref<327680xi32, #tpu.memory_space<hbm>> -> memref<128xi32, #tpu.memory_space<hbm>>
        tpu.enqueue_dma source(%dma_start3A_89 : memref<128xi32, #tpu.memory_space<hbm>>) target(%arg12 : memref<128xi32, #tpu.memory_space<vmem>>) target_semaphore(%arg17 : memref<!tpu.dma_semaphore, #tpu.memory_space<semaphore_mem>>)
      } else {
      }
      %mul3A_59 = arith.constant 2 : i32
      %mul3A_60 = arith.muli %mul3A_59, %scan3A_40 : i32
      %add3A_61 = arith.constant 1 : i32
      %add3A_62 = arith.addi %mul3A_60, %add3A_61 : i32
      %add3A_63 = arith.constant 1 : i32
      %add3A_64 = arith.addi %add3A_62, %add3A_63 : i32
      %lt3A_65 = arith.constant 80 : i32
      %lt3A_66 = arith.cmpi slt, %add3A_64, %lt3A_65 : i32
      %convert_element_type3A_67 = arith.extui %lt3A_66 : i1 to i32
      %cond3A_68 = arith.constant 0 : i32
      %cond3A_69 = arith.cmpi ne, %convert_element_type3A_67, %cond3A_68 : i32
      scf.if %cond3A_69 {
        %add3A_80 = arith.constant 1 : i32
        %add3A_81 = arith.addi %add3A_62, %add3A_80 : i32
        %mul3A_82 = arith.constant 128 : i32
        %mul3A_83 = arith.muli %add3A_81, %mul3A_82 : i32
        %add3A_84 = arith.addi %mul3A_4, %mul3A_83 : i32
        %multiple_of3A_85 = tpu.assume_multiple %add3A_84, 128 : i32
        %dma_wait3A_86 = tpu.memref_slice %arg2[%multiple_of3A_85] : memref<327680xi32, #tpu.memory_space<hbm>> -> memref<128xi32, #tpu.memory_space<hbm>>
        %dma_wait3A_87 = tpu.memref_slice %arg2[%multiple_of3A_85] : memref<327680xi32, #tpu.memory_space<hbm>> -> memref<128xi32, #tpu.memory_space<hbm>>
        tpu.wait_dma2 semaphore(%arg17 : memref<!tpu.dma_semaphore, #tpu.memory_space<semaphore_mem>>) src(%dma_wait3A_87 : memref<128xi32, #tpu.memory_space<hbm>>) dst(%arg11 : memref<128xi32, #tpu.memory_space<vmem>>)
        %dma_wait3A_88 = tpu.memref_slice %arg3[%multiple_of3A_85] : memref<327680xi32, #tpu.memory_space<hbm>> -> memref<128xi32, #tpu.memory_space<hbm>>
        %dma_wait3A_89 = tpu.memref_slice %arg3[%multiple_of3A_85] : memref<327680xi32, #tpu.memory_space<hbm>> -> memref<128xi32, #tpu.memory_space<hbm>>
        tpu.wait_dma2 semaphore(%arg17 : memref<!tpu.dma_semaphore, #tpu.memory_space<semaphore_mem>>) src(%dma_wait3A_89 : memref<128xi32, #tpu.memory_space<hbm>>) dst(%arg12 : memref<128xi32, #tpu.memory_space<vmem>>)
        %dma_start3A_90 = arith.constant 0 : i32
        %dma_start3A_91 = arith.constant 0 : i32
        %dma_start3A_92 = tpu.memref_slice %arg4[%dma_start3A_90, %dma_start3A_91] : memref<10240x128xf32, #tpu.memory_space<hbm>> -> memref<10240x128xf32, #tpu.memory_space<hbm>>
        tpu.enqueue_indirect_dma source(%dma_start3A_92 : memref<10240x128xf32, #tpu.memory_space<hbm>>) target(%arg9 : memref<128x128xf32, #tpu.memory_space<vmem>>) offsets(%arg11 : memref<128xi32, #tpu.memory_space<vmem>>) semaphore(%arg15 : memref<!tpu.dma_semaphore, #tpu.memory_space<semaphore_mem>>)
      } else {
      }
      %dma_wait3A_70 = arith.constant 0 : i32
      %dma_wait3A_71 = arith.constant 0 : i32
      %dma_wait3A_72 = tpu.memref_slice %arg4[%dma_wait3A_70, %dma_wait3A_71] : memref<10240x128xf32, #tpu.memory_space<hbm>> -> memref<10240x128xf32, #tpu.memory_space<hbm>>
      tpu.wait_indirect_dma semaphore(%arg16 : memref<!tpu.dma_semaphore, #tpu.memory_space<semaphore_mem>>) src(%dma_wait3A_72 : memref<10240x128xf32, #tpu.memory_space<hbm>>) dst(%arg10 : memref<128x128xf32, #tpu.memory_space<vmem>>)
      "tpu.region"() ({
        %run_scoped3A = tpu.sem_alloc : memref<!tpu.dma_semaphore, #tpu.memory_space<semaphore_mem>>
        %dma_start3A_80 = arith.constant 0 : i32
        %dma_start3A_81 = arith.constant 0 : i32
        %dma_start3A_82 = tpu.memref_slice %arg8[%dma_start3A_80, %dma_start3A_81] : memref<10240x128xf32, #tpu.memory_space<vmem_shared>> -> memref<10240x128xf32, #tpu.memory_space<vmem_shared>>
        tpu.enqueue_indirect_dma source(%arg10 : memref<128x128xf32, #tpu.memory_space<vmem>>) target(%dma_start3A_82 : memref<10240x128xf32, #tpu.memory_space<vmem_shared>>) offsets(%arg14 : memref<128xi32, #tpu.memory_space<vmem>>) semaphore(%run_scoped3A : memref<!tpu.dma_semaphore, #tpu.memory_space<semaphore_mem>>) {add = true}
        %dma_wait3A_83 = arith.constant 0 : i32
        %dma_wait3A_84 = arith.constant 0 : i32
        %dma_wait3A_85 = tpu.memref_slice %arg8[%dma_wait3A_83, %dma_wait3A_84] : memref<10240x128xf32, #tpu.memory_space<vmem_shared>> -> memref<10240x128xf32, #tpu.memory_space<vmem_shared>>
        tpu.wait_indirect_dma semaphore(%run_scoped3A : memref<!tpu.dma_semaphore, #tpu.memory_space<semaphore_mem>>) src(%arg10 : memref<128x128xf32, #tpu.memory_space<vmem>>) dst(%dma_wait3A_85 : memref<10240x128xf32, #tpu.memory_space<vmem_shared>>)
        tpu.yield
      }) : () -> ()
      %add3A_73 = arith.constant 2 : i32
      %add3A_74 = arith.addi %add3A_62, %add3A_73 : i32
      %lt3A_75 = arith.constant 80 : i32
      %lt3A_76 = arith.cmpi slt, %add3A_74, %lt3A_75 : i32
      %convert_element_type3A_77 = arith.extui %lt3A_76 : i1 to i32
      %cond3A_78 = arith.constant 0 : i32
      %cond3A_79 = arith.cmpi ne, %convert_element_type3A_77, %cond3A_78 : i32
      scf.if %cond3A_79 {
        %add3A_80 = arith.constant 2 : i32
        %add3A_81 = arith.addi %add3A_62, %add3A_80 : i32
        %mul3A_82 = arith.constant 128 : i32
        %mul3A_83 = arith.muli %add3A_81, %mul3A_82 : i32
        %add3A_84 = arith.addi %mul3A_4, %mul3A_83 : i32
        %multiple_of3A_85 = tpu.assume_multiple %add3A_84, 128 : i32
        %dma_start3A_86 = tpu.memref_slice %arg2[%multiple_of3A_85] : memref<327680xi32, #tpu.memory_space<hbm>> -> memref<128xi32, #tpu.memory_space<hbm>>
        %dma_start3A_87 = tpu.memref_slice %arg2[%multiple_of3A_85] : memref<327680xi32, #tpu.memory_space<hbm>> -> memref<128xi32, #tpu.memory_space<hbm>>
        tpu.enqueue_dma source(%dma_start3A_87 : memref<128xi32, #tpu.memory_space<hbm>>) target(%arg13 : memref<128xi32, #tpu.memory_space<vmem>>) target_semaphore(%arg18 : memref<!tpu.dma_semaphore, #tpu.memory_space<semaphore_mem>>)
        %dma_start3A_88 = tpu.memref_slice %arg3[%multiple_of3A_85] : memref<327680xi32, #tpu.memory_space<hbm>> -> memref<128xi32, #tpu.memory_space<hbm>>
        %dma_start3A_89 = tpu.memref_slice %arg3[%multiple_of3A_85] : memref<327680xi32, #tpu.memory_space<hbm>> -> memref<128xi32, #tpu.memory_space<hbm>>
        tpu.enqueue_dma source(%dma_start3A_89 : memref<128xi32, #tpu.memory_space<hbm>>) target(%arg14 : memref<128xi32, #tpu.memory_space<vmem>>) target_semaphore(%arg18 : memref<!tpu.dma_semaphore, #tpu.memory_space<semaphore_mem>>)
      } else {
      }
    }
    %scan3A_31 = arith.constant 40 : i32
    %barrier3A_32 = arith.constant 0 : index
    tpu.barrier barrier_id(%barrier3A_32)
    %eq3A = arith.constant 0 : i32
    %eq3A_33 = arith.cmpi eq, %arg0, %eq3A : i32
    %convert_element_type3A = arith.extui %eq3A_33 : i1 to i32
    %cond3A = arith.constant 0 : i32
    %cond3A_34 = arith.cmpi ne, %convert_element_type3A, %cond3A : i32
    scf.if %cond3A_34 {
      "tpu.region"() ({
        %run_scoped3A = tpu.sem_alloc : memref<!tpu.dma_semaphore, #tpu.memory_space<semaphore_mem>>
        %dma_start3A_40 = arith.constant 0 : i32
        %dma_start3A_41 = tpu.memref_slice %arg6[%mul3A_6, %dma_start3A_40] : memref<10240x128xf32, #tpu.memory_space<hbm>> -> memref<640x128xf32, #tpu.memory_space<hbm>>
        %dma_start3A_42 = arith.constant 0 : i32
        %dma_start3A_43 = tpu.memref_slice %arg8[%mul3A_6, %dma_start3A_42] : memref<10240x128xf32, #tpu.memory_space<vmem_shared>> -> memref<640x128xf32, #tpu.memory_space<vmem_shared>>
        tpu.enqueue_dma source(%dma_start3A_43 : memref<640x128xf32, #tpu.memory_space<vmem_shared>>) target(%dma_start3A_41 : memref<640x128xf32, #tpu.memory_space<hbm>>) target_semaphore(%run_scoped3A : memref<!tpu.dma_semaphore, #tpu.memory_space<semaphore_mem>>)
        %dma_wait3A_44 = arith.constant 0 : i32
        %dma_wait3A_45 = tpu.memref_slice %arg6[%mul3A_6, %dma_wait3A_44] : memref<10240x128xf32, #tpu.memory_space<hbm>> -> memref<640x128xf32, #tpu.memory_space<hbm>>
        %dma_wait3A_46 = arith.constant 0 : i32
        %dma_wait3A_47 = tpu.memref_slice %arg8[%mul3A_6, %dma_wait3A_46] : memref<10240x128xf32, #tpu.memory_space<vmem_shared>> -> memref<640x128xf32, #tpu.memory_space<vmem_shared>>
        tpu.wait_dma2 semaphore(%run_scoped3A : memref<!tpu.dma_semaphore, #tpu.memory_space<semaphore_mem>>) src(%dma_wait3A_47 : memref<640x128xf32, #tpu.memory_space<vmem_shared>>) dst(%dma_wait3A_45 : memref<640x128xf32, #tpu.memory_space<hbm>>)
        tpu.yield
      }) : () -> ()
    } else {
    }
    %eq3A_35 = arith.constant 1 : i32
    %eq3A_36 = arith.cmpi eq, %arg0, %eq3A_35 : i32
    %convert_element_type3A_37 = arith.extui %eq3A_36 : i1 to i32
    %cond3A_38 = arith.constant 0 : i32
    %cond3A_39 = arith.cmpi ne, %convert_element_type3A_37, %cond3A_38 : i32
    scf.if %cond3A_39 {
      "tpu.region"() ({
        %run_scoped3A = tpu.sem_alloc : memref<!tpu.dma_semaphore, #tpu.memory_space<semaphore_mem>>
        %dma_start3A_40 = arith.constant 0 : i32
        %dma_start3A_41 = tpu.memref_slice %arg7[%mul3A_6, %dma_start3A_40] : memref<10240x128xf32, #tpu.memory_space<hbm>> -> memref<640x128xf32, #tpu.memory_space<hbm>>
        %dma_start3A_42 = arith.constant 0 : i32
        %dma_start3A_43 = tpu.memref_slice %arg8[%mul3A_6, %dma_start3A_42] : memref<10240x128xf32, #tpu.memory_space<vmem_shared>> -> memref<640x128xf32, #tpu.memory_space<vmem_shared>>
        tpu.enqueue_dma source(%dma_start3A_43 : memref<640x128xf32, #tpu.memory_space<vmem_shared>>) target(%dma_start3A_41 : memref<640x128xf32, #tpu.memory_space<hbm>>) target_semaphore(%run_scoped3A : memref<!tpu.dma_semaphore, #tpu.memory_space<semaphore_mem>>)
        %dma_wait3A_44 = arith.constant 0 : i32
        %dma_wait3A_45 = tpu.memref_slice %arg7[%mul3A_6, %dma_wait3A_44] : memref<10240x128xf32, #tpu.memory_space<hbm>> -> memref<640x128xf32, #tpu.memory_space<hbm>>
        %dma_wait3A_46 = arith.constant 0 : i32
        %dma_wait3A_47 = tpu.memref_slice %arg8[%mul3A_6, %dma_wait3A_46] : memref<10240x128xf32, #tpu.memory_space<vmem_shared>> -> memref<640x128xf32, #tpu.memory_space<vmem_shared>>
        tpu.wait_dma2 semaphore(%run_scoped3A : memref<!tpu.dma_semaphore, #tpu.memory_space<semaphore_mem>>) src(%dma_wait3A_47 : memref<640x128xf32, #tpu.memory_space<vmem_shared>>) dst(%dma_wait3A_45 : memref<640x128xf32, #tpu.memory_space<hbm>>)
        tpu.yield
      }) : () -> ()
    } else {
    }
    return
  }
}

module attributes {stable_mosaic.version = 14 : i64} {
  func.func @_tc1_body(%arg0: i32, %arg1: memref<160x128xf32, #tpu.memory_space<vmem>>, %arg2: memref<128x128xf32, #tpu.memory_space<vmem>>, %arg3: memref<160x1xf32, #tpu.memory_space<vmem>>, %arg4: memref<160x1xf32, #tpu.memory_space<vmem>>, %arg5: memref<160x1xf32, #tpu.memory_space<vmem>>, %arg6: memref<160x128xf32, #tpu.memory_space<vmem>>) attributes {dimension_semantics = [#tpu.dimension_semantics<arbitrary>], iteration_bounds = array<i64: 64>, scalar_prefetch = 0 : i64, scratch_operands = 0 : i64, tpu.core_type = #tpu.core_type<tc>, window_params = [{transform_indices = @transform_0, window_bounds = array<i64: 160, 128>}, {pipeline_mode = #tpu.pipeline_mode<synchronous>, transform_indices = @transform_1, window_bounds = array<i64: 128, 128>}, {transform_indices = @transform_2, window_bounds = array<i64: 160, 1>}, {transform_indices = @transform_3, window_bounds = array<i64: 160, 1>}, {transform_indices = @transform_4, window_bounds = array<i64: 160, 1>}, {transform_indices = @transform_5, window_bounds = array<i64: 160, 128>}]} {
    %get3A = arith.constant 0 : index
    %get3A_0 = arith.constant 0 : index
    %get3A_1 = vector.load %arg3[%get3A, %get3A_0] : memref<160x1xf32, #tpu.memory_space<vmem>>, vector<160x1xf32>
    %get3A_2 = arith.constant 0 : index
    %get3A_3 = arith.constant 0 : index
    %get3A_4 = vector.load %arg4[%get3A_2, %get3A_3] : memref<160x1xf32, #tpu.memory_space<vmem>>, vector<160x1xf32>
    %add3A = arith.addf %get3A_1, %get3A_4 : vector<160x1xf32>
    %add3A_5 = arith.constant 1.000000e+00 : f32
    %add3A_6 = vector.broadcast %add3A_5 : f32 to vector<160x1xf32>
    %add3A_7 = arith.addf %add3A, %add3A_6 : vector<160x1xf32>
    %rsqrt3A = math.rsqrt %add3A_7 : vector<160x1xf32>
    %swap3A = arith.constant 0 : index
    %swap3A_8 = arith.constant 0 : index
    %swap3A_9 = vector.load %arg5[%swap3A, %swap3A_8] : memref<160x1xf32, #tpu.memory_space<vmem>>, vector<160x1xf32>
    tpu.vector_store %arg5[%swap3A, %swap3A_8], %rsqrt3A {strides = array<i32>} : memref<160x1xf32, #tpu.memory_space<vmem>>, vector<160x1xf32>,
    %get3A_10 = arith.constant 0 : index
    %get3A_11 = arith.constant 0 : index
    %get3A_12 = vector.load %arg1[%get3A_10, %get3A_11] : memref<160x128xf32, #tpu.memory_space<vmem>>, vector<160x128xf32>
    %get3A_13 = arith.constant 0 : index
    %get3A_14 = arith.constant 0 : index
    %get3A_15 = vector.load %arg2[%get3A_13, %get3A_14] : memref<128x128xf32, #tpu.memory_space<vmem>>, vector<128x128xf32>
    %dot_general3A = arith.constant dense<0.000000e+00> : vector<160x128xf32>
    %dot_general3A_16 = tpu.matmul %get3A_12, %get3A_15, %dot_general3A {dimension_numbers = #tpu.dot_dimension_numbers<[1], [0], [0], [1], [0, 0, 1, 1], [], []>, transpose_lhs_hint = false} : vector<160x128xf32>, vector<128x128xf32>, vector<160x128xf32> -> vector<160x128xf32>
    %mul3A = vector.broadcast %rsqrt3A : vector<160x1xf32> to vector<160x128xf32>
    %mul3A_17 = arith.mulf %dot_general3A_16, %mul3A : vector<160x128xf32>
    %swap3A_18 = arith.constant 0 : index
    %swap3A_19 = arith.constant 0 : index
    %swap3A_20 = vector.load %arg6[%swap3A_18, %swap3A_19] : memref<160x128xf32, #tpu.memory_space<vmem>>, vector<160x128xf32>
    tpu.vector_store %arg6[%swap3A_18, %swap3A_19], %mul3A_17 {strides = array<i32>} : memref<160x128xf32, #tpu.memory_space<vmem>>, vector<160x128xf32>,
    return
  }
  func.func @transform_0(%arg0: i32) -> (i32, i32) {
    %c0_i32 = arith.constant 0 : i32
    %c0_i32_0 = arith.constant 0 : i32
    return %arg0, %c0_i32 : i32, i32
  }
  func.func @transform_1(%arg0: i32) -> (i32, i32) {
    %c0_i32 = arith.constant 0 : i32
    %c0_i32_0 = arith.constant 0 : i32
    %c0_i32_1 = arith.constant 0 : i32
    return %c0_i32, %c0_i32_0 : i32, i32
  }
  func.func @transform_2(%arg0: i32) -> (i32, i32) {
    %c0_i32 = arith.constant 0 : i32
    %c0_i32_0 = arith.constant 0 : i32
    return %arg0, %c0_i32 : i32, i32
  }
  func.func @transform_3(%arg0: i32) -> (i32, i32) {
    %c0_i32 = arith.constant 0 : i32
    %c0_i32_0 = arith.constant 0 : i32
    return %arg0, %c0_i32 : i32, i32
  }
  func.func @transform_4(%arg0: i32) -> (i32, i32) {
    %c0_i32 = arith.constant 0 : i32
    %c0_i32_0 = arith.constant 0 : i32
    return %arg0, %c0_i32 : i32, i32
  }
  func.func @transform_5(%arg0: i32) -> (i32, i32) {
    %c0_i32 = arith.constant 0 : i32
    %c0_i32_0 = arith.constant 0 : i32
    return %arg0, %c0_i32 : i32, i32
  }
}

module attributes {stable_mosaic.version = 14 : i64} {
  func.func @_tc2_body(%arg0: i32, %arg1: memref<160x128xf32, #tpu.memory_space<vmem>>, %arg2: memref<160x128xf32, #tpu.memory_space<vmem>>, %arg3: memref<160x128xf32, #tpu.memory_space<vmem>>, %arg4: memref<160x1xf32, #tpu.memory_space<vmem>>, %arg5: memref<1x128xf32, #tpu.memory_space<vmem>>, %arg6: memref<128x128xf32, #tpu.memory_space<vmem>>, %arg7: memref<160x128xf32, #tpu.memory_space<vmem>>) attributes {dimension_semantics = [#tpu.dimension_semantics<arbitrary>], iteration_bounds = array<i64: 64>, scalar_prefetch = 0 : i64, scratch_operands = 0 : i64, tpu.core_type = #tpu.core_type<tc>, window_params = [{transform_indices = @transform_0, window_bounds = array<i64: 160, 128>}, {transform_indices = @transform_1, window_bounds = array<i64: 160, 128>}, {transform_indices = @transform_2, window_bounds = array<i64: 160, 128>}, {transform_indices = @transform_3, window_bounds = array<i64: 160, 1>}, {pipeline_mode = #tpu.pipeline_mode<synchronous>, transform_indices = @transform_4, window_bounds = array<i64: 1, 128>}, {pipeline_mode = #tpu.pipeline_mode<synchronous>, transform_indices = @transform_5, window_bounds = array<i64: 128, 128>}, {transform_indices = @transform_6, window_bounds = array<i64: 160, 128>}]} {
    %get3A = arith.constant 0 : index
    %get3A_0 = arith.constant 0 : index
    %get3A_1 = vector.load %arg4[%get3A, %get3A_0] : memref<160x1xf32, #tpu.memory_space<vmem>>, vector<160x1xf32>
    %get3A_2 = arith.constant 0 : index
    %get3A_3 = arith.constant 0 : index
    %get3A_4 = vector.load %arg1[%get3A_2, %get3A_3] : memref<160x128xf32, #tpu.memory_space<vmem>>, vector<160x128xf32>
    %get3A_5 = arith.constant 0 : index
    %get3A_6 = arith.constant 0 : index
    %get3A_7 = vector.load %arg2[%get3A_5, %get3A_6] : memref<160x128xf32, #tpu.memory_space<vmem>>, vector<160x128xf32>
    %add3A = arith.addf %get3A_4, %get3A_7 : vector<160x128xf32>
    %get3A_8 = arith.constant 0 : index
    %get3A_9 = arith.constant 0 : index
    %get3A_10 = vector.load %arg3[%get3A_8, %get3A_9] : memref<160x128xf32, #tpu.memory_space<vmem>>, vector<160x128xf32>
    %add3A_11 = arith.addf %add3A, %get3A_10 : vector<160x128xf32>
    %mul3A = vector.broadcast %get3A_1 : vector<160x1xf32> to vector<160x128xf32>
    %mul3A_12 = arith.mulf %mul3A, %add3A_11 : vector<160x128xf32>
    %get3A_13 = arith.constant 0 : index
    %get3A_14 = arith.constant 0 : index
    %get3A_15 = vector.load %arg5[%get3A_13, %get3A_14] : memref<1x128xf32, #tpu.memory_space<vmem>>, vector<1x128xf32>
    %add3A_16 = vector.broadcast %get3A_15 : vector<1x128xf32> to vector<160x128xf32>
    %add3A_17 = arith.addf %mul3A_12, %add3A_16 : vector<160x128xf32>
    %max3A = arith.constant 0.000000e+00 : f32
    %max3A_18 = vector.broadcast %max3A : f32 to vector<160x128xf32>
    %max3A_19 = arith.maximumf %add3A_17, %max3A_18 : vector<160x128xf32>
    %get3A_20 = arith.constant 0 : index
    %get3A_21 = arith.constant 0 : index
    %get3A_22 = vector.load %arg6[%get3A_20, %get3A_21] : memref<128x128xf32, #tpu.memory_space<vmem>>, vector<128x128xf32>
    %dot_general3A = arith.constant dense<0.000000e+00> : vector<160x128xf32>
    %dot_general3A_23 = tpu.matmul %max3A_19, %get3A_22, %dot_general3A {dimension_numbers = #tpu.dot_dimension_numbers<[1], [0], [0], [1], [0, 0, 1, 1], [], []>, transpose_lhs_hint = false} : vector<160x128xf32>, vector<128x128xf32>, vector<160x128xf32> -> vector<160x128xf32>
    %mul3A_24 = vector.broadcast %get3A_1 : vector<160x1xf32> to vector<160x128xf32>
    %mul3A_25 = arith.mulf %dot_general3A_23, %mul3A_24 : vector<160x128xf32>
    %swap3A = arith.constant 0 : index
    %swap3A_26 = arith.constant 0 : index
    %swap3A_27 = vector.load %arg7[%swap3A, %swap3A_26] : memref<160x128xf32, #tpu.memory_space<vmem>>, vector<160x128xf32>
    tpu.vector_store %arg7[%swap3A, %swap3A_26], %mul3A_25 {strides = array<i32>} : memref<160x128xf32, #tpu.memory_space<vmem>>, vector<160x128xf32>,
    return
  }
  func.func @transform_0(%arg0: i32) -> (i32, i32) {
    %c0_i32 = arith.constant 0 : i32
    %c0_i32_0 = arith.constant 0 : i32
    return %arg0, %c0_i32 : i32, i32
  }
  func.func @transform_1(%arg0: i32) -> (i32, i32) {
    %c0_i32 = arith.constant 0 : i32
    %c0_i32_0 = arith.constant 0 : i32
    return %arg0, %c0_i32 : i32, i32
  }
  func.func @transform_2(%arg0: i32) -> (i32, i32) {
    %c0_i32 = arith.constant 0 : i32
    %c0_i32_0 = arith.constant 0 : i32
    return %arg0, %c0_i32 : i32, i32
  }
  func.func @transform_3(%arg0: i32) -> (i32, i32) {
    %c0_i32 = arith.constant 0 : i32
    %c0_i32_0 = arith.constant 0 : i32
    return %arg0, %c0_i32 : i32, i32
  }
  func.func @transform_4(%arg0: i32) -> (i32, i32) {
    %c0_i32 = arith.constant 0 : i32
    %c0_i32_0 = arith.constant 0 : i32
    %c0_i32_1 = arith.constant 0 : i32
    return %c0_i32, %c0_i32_0 : i32, i32
  }
  func.func @transform_5(%arg0: i32) -> (i32, i32) {
    %c0_i32 = arith.constant 0 : i32
    %c0_i32_0 = arith.constant 0 : i32
    %c0_i32_1 = arith.constant 0 : i32
    return %c0_i32, %c0_i32_0 : i32, i32
  }
  func.func @transform_6(%arg0: i32) -> (i32, i32) {
    %c0_i32 = arith.constant 0 : i32
    %c0_i32_0 = arith.constant 0 : i32
    return %arg0, %c0_i32 : i32, i32
  }
}

module attributes {stable_mosaic.version = 14 : i64} {
  func.func @_tc3_body(%arg0: i32, %arg1: memref<200x128xf32, #tpu.memory_space<vmem>>, %arg2: memref<200x128xf32, #tpu.memory_space<vmem>>, %arg3: memref<200x128xf32, #tpu.memory_space<vmem>>, %arg4: memref<200x1xf32, #tpu.memory_space<vmem>>, %arg5: memref<1x128xf32, #tpu.memory_space<vmem>>, %arg6: memref<200x128xf32, #tpu.memory_space<vmem>>) attributes {dimension_semantics = [#tpu.dimension_semantics<arbitrary>], iteration_bounds = array<i64: 50>, scalar_prefetch = 0 : i64, scratch_operands = 0 : i64, tpu.core_type = #tpu.core_type<tc>, window_params = [{transform_indices = @transform_0, window_bounds = array<i64: 200, 128>}, {transform_indices = @transform_1, window_bounds = array<i64: 200, 128>}, {transform_indices = @transform_2, window_bounds = array<i64: 200, 128>}, {transform_indices = @transform_3, window_bounds = array<i64: 200, 1>}, {pipeline_mode = #tpu.pipeline_mode<synchronous>, transform_indices = @transform_4, window_bounds = array<i64: 1, 128>}, {transform_indices = @transform_5, window_bounds = array<i64: 200, 128>}]} {
    %get3A = arith.constant 0 : index
    %get3A_0 = arith.constant 0 : index
    %get3A_1 = vector.load %arg4[%get3A, %get3A_0] : memref<200x1xf32, #tpu.memory_space<vmem>>, vector<200x1xf32>
    %get3A_2 = arith.constant 0 : index
    %get3A_3 = arith.constant 0 : index
    %get3A_4 = vector.load %arg1[%get3A_2, %get3A_3] : memref<200x128xf32, #tpu.memory_space<vmem>>, vector<200x128xf32>
    %get3A_5 = arith.constant 0 : index
    %get3A_6 = arith.constant 0 : index
    %get3A_7 = vector.load %arg2[%get3A_5, %get3A_6] : memref<200x128xf32, #tpu.memory_space<vmem>>, vector<200x128xf32>
    %add3A = arith.addf %get3A_4, %get3A_7 : vector<200x128xf32>
    %get3A_8 = arith.constant 0 : index
    %get3A_9 = arith.constant 0 : index
    %get3A_10 = vector.load %arg3[%get3A_8, %get3A_9] : memref<200x128xf32, #tpu.memory_space<vmem>>, vector<200x128xf32>
    %add3A_11 = arith.addf %add3A, %get3A_10 : vector<200x128xf32>
    %mul3A = vector.broadcast %get3A_1 : vector<200x1xf32> to vector<200x128xf32>
    %mul3A_12 = arith.mulf %mul3A, %add3A_11 : vector<200x128xf32>
    %get3A_13 = arith.constant 0 : index
    %get3A_14 = arith.constant 0 : index
    %get3A_15 = vector.load %arg5[%get3A_13, %get3A_14] : memref<1x128xf32, #tpu.memory_space<vmem>>, vector<1x128xf32>
    %add3A_16 = vector.broadcast %get3A_15 : vector<1x128xf32> to vector<200x128xf32>
    %add3A_17 = arith.addf %mul3A_12, %add3A_16 : vector<200x128xf32>
    %swap3A = arith.constant 0 : index
    %swap3A_18 = arith.constant 0 : index
    %swap3A_19 = vector.load %arg6[%swap3A, %swap3A_18] : memref<200x128xf32, #tpu.memory_space<vmem>>, vector<200x128xf32>
    tpu.vector_store %arg6[%swap3A, %swap3A_18], %add3A_17 {strides = array<i32>} : memref<200x128xf32, #tpu.memory_space<vmem>>, vector<200x128xf32>,
    return
  }
  func.func @transform_0(%arg0: i32) -> (i32, i32) {
    %c0_i32 = arith.constant 0 : i32
    %c0_i32_0 = arith.constant 0 : i32
    return %arg0, %c0_i32 : i32, i32
  }
  func.func @transform_1(%arg0: i32) -> (i32, i32) {
    %c0_i32 = arith.constant 0 : i32
    %c0_i32_0 = arith.constant 0 : i32
    return %arg0, %c0_i32 : i32, i32
  }
  func.func @transform_2(%arg0: i32) -> (i32, i32) {
    %c0_i32 = arith.constant 0 : i32
    %c0_i32_0 = arith.constant 0 : i32
    return %arg0, %c0_i32 : i32, i32
  }
  func.func @transform_3(%arg0: i32) -> (i32, i32) {
    %c0_i32 = arith.constant 0 : i32
    %c0_i32_0 = arith.constant 0 : i32
    return %arg0, %c0_i32 : i32, i32
  }
  func.func @transform_4(%arg0: i32) -> (i32, i32) {
    %c0_i32 = arith.constant 0 : i32
    %c0_i32_0 = arith.constant 0 : i32
    %c0_i32_1 = arith.constant 0 : i32
    return %c0_i32, %c0_i32_0 : i32, i32
  }
  func.func @transform_5(%arg0: i32) -> (i32, i32) {
    %c0_i32 = arith.constant 0 : i32
    %c0_i32_0 = arith.constant 0 : i32
    return %arg0, %c0_i32 : i32, i32
  }
}

</mosaic_0001>

<sc_bundles>
// kernel: kernel.11.cloned.1.call-start
scs
__scs_entry_jumppad:
0x0: {  	(pc) =	sbr.rel $0x88, $3  }
0x1: {  	(tag) =	ssettag $0x0;
	lr =	simm.s32 $0x1  }
0x2: {  	[smem:$0x3F9B] =	sst lr;
	_ =	strace $0xD0000000  }
0x3: {  	_ = 	snop  }
0x4: {  	_ = 	snop  }
0x5: {  	_ = 	snop  }
0x6: {  	_ = 	snop  }
0x7: {  	_ = 	snop  }
__scs_overlays_trampoline_lowered:
0x8: {  	[smem:$0x3FAA] =	sst s0  }
0x9: {  	[smem:$0x3FAB] =	sst s1  }
0xa: {  	[smem:$0x3FAC] =	sst s2  }
0xb: {  	[smem:$0x3FAD] =	sst s3  }
0xc: {  	[smem:$0x3FAE] =	sst s4  }
0xd: {  	[smem:$0x3FAF] =	sst s5  }
0xe: {  	[smem:$0x3FB0] =	sst s6  }
0xf: {  	[smem:$0x3FB1] =	sst s7  }
0x10: {  	[smem:$0x3FB2] =	sst s8  }
0x11: {  	[smem:$0x3FB3] =	sst s9;
	s0 =	simm.s32 @!p0 $0x0  }
0x12: {  	s1 =	sld [smem:$0x3F99];
	s0 =	simm.s32 @p0 $0x1  }
0x13: {  	[smem:$0x3FB4] =	sst s0;
	s0 =	simm.s32 @!p1 $0x0  }
0x14: {  	s2 =	sld [smem:$0x3F98];
	s0 =	simm.s32 @p1 $0x1  }
0x15: {  	[smem:$0x3FB5] =	sst s0;
	s0 =	simm.s32 @!p2 $0x0  }
0x16: {  	s3 =	sld [smem:$0x3FDB];
	s0 =	simm.s32 @p2 $0x1  }
0x17: {  	s4 =	simm.s32 $0x1BF5;
	[smem:$0x3FB7] =	sst s0  }
0x18: {  	s0 =	sld [smem:$0x3F9A];
	_ =	swait.ge [sflag:s4], $0x0  }
0x19: {  	s7 =	sld [smem:$0x3F9B]  }
0x1a: {  	s8 =	sadd.s32 $0xFFFFE003, lr  }
0x1b: {  	s9 =	sadd.s32 $0xFFFFFEF7, lr;
	s5 =	simm.s32 $0xFFFFFFFF;
	p2 =	slt.u32 s8, $0xFFFFF086  }
0x1c: {  	p1 =	slt.u32 s9, $0xF7A;
	s5 =	simm.s32 @!p2 $0x0  }
0x1d: {  	s5 =	simm.s32 @p1 $0x1;
	p0 =	seq.s32 s7, s2  }
0x1e: {  	s7 =	smul.u32 @!p0 $0xF7A, s2;
	p2 =	seq.s32 @!p0 s5, $0x0  }
0x1f: {  	s9 =	smul.u32 $0xF7A, s1;
	s8 =	simm.s32 @!p0 $0x1BF5;
	p2 =	por !p2, p0  }
0x20: {  	[sflag:s8] =	ssyncset.s32 @!p0 $0xFFFFF086;
	s6 =	sadd.s32 @!p0 s3, s7;
	s7 =	simm.s32 @!p0 $0x108  }
0x21: {  	s3 =	sadd.s32 s3, s9;
	s6 =	sadd.s32 @!p0 $0x88, s6;
	s7 =	simm.s32 @p2 $0x1082  }
0x22: {  	[simem:s7], [sflag:s8] =	dma.local @!p0 [hbm:s6], $0xF7A  }
0x23: {  	s9 =	sor.u32 $0xD0000000, s2;
	s6 =	simm.s32 $0x108;
	_ =	swait.ge @!p0 [sflag:s8], $0x0  }
0x24: {  	s3 =	sadd.s32 $0x88, s3;
	s6 =	simm.s32 @!p1 $0x1082;
	[sflag:s4] =	ssyncset.s32 $0xFFFFF086  }
0x25: {  	[simem:s6], [sflag:s4] =	dma.local [hbm:s3], $0xF7A  }
0x26: {  	[smem:$0x3F9B] =	sst s1;
	(tag) =	ssettag s2;
	_ =	strace s9  }
0x27: {  	s1 =	sld [smem:$0x3FAB]  }
0x28: {  	s2 =	sld [smem:$0x3FAC]  }
0x29: {  	s4 =	sld [smem:$0x3FAE]  }
0x2a: {  	p0 =	seq.s32 s5, $0x0;
	s5 =	sld [smem:$0x3FAF]  }
0x2b: {  	s6 =	sld [smem:$0x3FB0]  }
0x2c: {  	s7 =	sld [smem:$0x3FB1]  }
0x2d: {  	s3 =	simm.s32 $0x108;
	s8 =	sld [smem:$0x3FB2]  }
0x2e: {  	s3 =	simm.s32 @!p0 $0x1082;
	s9 =	sld [smem:$0x3FB3]  }
0x2f: {  	lr =	sadd.s32 s0, s3;
	s0 =	sld [smem:$0x3FAA]  }
0x30: {  	s3 =	sld [smem:$0x3FAD]  }
0x31: {  	[smem:$0x3FB6] =	sst s10  }
0x32: {  	s10 =	sld [smem:$0x3FB4];
	_ =	sdelay $0x3  }
0x33: {  	p0 =	seq.s32 s10, $0x1;
	s10 =	sld [smem:$0x3FB6];
	_ =	sdelay $0x3  }
0x34: {  	[smem:$0x3FB6] =	sst s10  }
0x35: {  	s10 =	sld [smem:$0x3FB5];
	_ =	sdelay $0x3  }
0x36: {  	p1 =	seq.s32 s10, $0x1;
	s10 =	sld [smem:$0x3FB6];
	_ =	sdelay $0x3  }
0x37: {  	[smem:$0x3FB6] =	sst s10  }
0x38: {  	s10 =	sld [smem:$0x3FB7]  }
0x39: {  	_ = 	snop;
	(pc) =	sbr.ind lr, $3  }
0x3a: {  	_ = 	snop  }
0x3b: {  	_ = 	snop  }
0x3c: {  	p2 =	seq.s32 s10, $0x1;
	s10 =	sld [smem:$0x3FB6]  }
0x3d: {  	_ =	shalt  }
0x3e: {  	_ =	shalt  }
0x3f: {  	_ =	shalt  }
0x40: {  	_ =	shalt  }
0x41: {  	_ =	shalt  }
0x42: {  	_ =	shalt  }
0x43: {  	_ =	shalt  }
0x44: {  	_ =	shalt  }
0x45: {  	_ =	shalt  }
0x46: {  	_ =	shalt  }
0x47: {  	_ =	shalt  }
0x48: {  	_ =	shalt  }
0x49: {  	_ =	shalt  }
0x4a: {  	_ =	shalt  }
0x4b: {  	_ =	shalt  }
0x4c: {  	_ =	shalt  }
0x4d: {  	_ =	shalt  }
0x4e: {  	_ =	shalt  }
0x4f: {  	_ =	shalt  }
0x50: {  	_ =	shalt  }
0x51: {  	_ =	shalt  }
0x52: {  	_ =	shalt  }
0x53: {  	_ =	shalt  }
0x54: {  	_ =	shalt  }
0x55: {  	_ =	shalt  }
0x56: {  	_ =	shalt  }
0x57: {  	_ =	shalt  }
0x58: {  	_ =	shalt  }
0x59: {  	_ =	shalt  }
0x5a: {  	_ =	shalt  }
0x5b: {  	_ =	shalt  }
0x5c: {  	_ =	shalt  }
0x5d: {  	_ =	shalt  }
0x5e: {  	_ =	shalt  }
0x5f: {  	_ =	shalt  }
0x60: {  	_ =	shalt  }
0x61: {  	_ =	shalt  }
0x62: {  	_ =	shalt  }
0x63: {  	_ =	shalt  }
0x64: {  	_ =	shalt  }
0x65: {  	_ =	shalt  }
0x66: {  	_ =	shalt  }
0x67: {  	_ =	shalt  }
0x68: {  	_ =	shalt  }
0x69: {  	_ =	shalt  }
0x6a: {  	_ =	shalt  }
0x6b: {  	_ =	shalt  }
0x6c: {  	_ =	shalt  }
0x6d: {  	_ =	shalt  }
0x6e: {  	_ =	shalt  }
0x6f: {  	_ =	shalt  }
0x70: {  	_ =	shalt  }
0x71: {  	_ =	shalt  }
0x72: {  	_ =	shalt  }
0x73: {  	_ =	shalt  }
0x74: {  	_ =	shalt  }
0x75: {  	_ =	shalt  }
0x76: {  	_ =	shalt  }
0x77: {  	_ =	shalt  }
0x78: {  	_ =	shalt  }
0x79: {  	_ =	shalt  }
0x7a: {  	_ =	shalt  }
0x7b: {  	_ =	shalt  }
0x7c: {  	_ =	shalt  }
0x7d: {  	_ =	shalt  }
0x7e: {  	_ =	shalt  }
0x7f: {  	_ =	shalt  }
0x80: {  	_ =	shalt  }
0x81: {  	_ =	shalt  }
0x82: {  	_ =	shalt  }
0x83: {  	_ =	shalt  }
0x84: {  	_ =	shalt  }
0x85: {  	_ =	shalt  }
0x86: {  	_ =	shalt  }
0x87: {  	_ =	shalt  }
.Lfunc_end0:
.L_simem_size_0:
called_computation.1_lowered:
.L_overlay_start_0:
0x88: {  	s2 =	sld [smem:$0x3FD9]  }
0x89: {  	s3 =	sld [smem:$0x3FFE];
	_ =	sdelay $0x1  }
0x8a: {  	s1 =	srdreg.scid  }
0x8b: {  	s0 =	sand.u32 $0x1, s1  }
0x8c: {  	s17 =	sshll.u32 s0, $0xA;
	s2 =	sadd.s32 s3, s2  }
0x8d: {  	s2 =	sadd.s32 s2, s17  }
0x8e: {  	[smem:$0x3FC2] =	sst s2  }
0x8f: {  	_ = 	snop  }
0x90: {  	s2 =	sld [smem:$0x3FD0];
	(tm) =	ssettm $0x1  }
0x91: {  	s18 =	sld [smem:$0x3FFB];
	_ =	sdelay $0x3  }
0x92: {  	_ =	strace s18  }
0x93: {  	s3 =	sld [smem:$0x3FFC];
	_ =	sdelay $0x3  }
0x94: {  	_ =	strace s3  }
0x95: {  	s3 =	sld [smem:$0x3FFD];
	_ =	sdelay $0x3  }
0x96: {  	_ =	strace s3  }
0x97: {  	_ =	strace $0x8FFFFFFF  }
0x98: {  	s19 =	sld [smem:$0x3FDB];
	_ =	sdelay $0x1  }
0x99: {  	s4 =	simm.s32 $_scs_section_size  }
0x9a: {  	s5 =	simm.s32 $_size__tile_overlayer_lowered;
	s6 =	simm.s32 $_tile_overlayer_lowered  }
0x9b: {  	s22 =	simm.s32 $0x1BFF;
	s21 =	sshll.u32 s6, $0x1;
	s3 =	sadd.s32 s4, s19  }
0x9c: {  	s7 =	simm.s32 $0x0;
	s20 =	sshll.u32 s5, $0x1;
	s5 =	sadd.s32 s21, s3  }
0x9d: {  	[timem:s7], [sflag:s22] =	dma.local [hbm:s5], s20  }
0x9e: {  	_ =	swait.ge [sflag:s22], s20  }
0x9f: {  	s4 =	ssub.s32 $0x0, s20;
	[sflag:s22] =	ssyncset.done $0x0  }
0xa0: {  	[sflag:s22] =	ssyncadd.s32 s4;
	_ =	sdelay $0x1  }
0xa1: {  	s23 =	simm.s32 $0x1B8B  }
0xa2: {  	_ =	swait.ge [sflag:s23], $0x1  }
0xa3: {  	[sflag:s23] =	ssyncset.done $0x0  }
0xa4: {  	s25 =	simm.s32 $0x1B8E;
	s24 =	sld [smem:$0x3FFE];
	[sflag:s23] =	ssyncadd.s32 $0xFFFFFFFF  }
0xa5: {  	s26 =	simm.s32 $execute0_lowered;
	[smem:$0x3FD2] =	sst s25  }
0xa6: {  	s5 =	sshll.u32 s26, $0x1;
	_ =	strace $0x80000049;
	[dreg:$0x1] =	wrdreg $0xFFFFFFFF  }
0xa7: {  	s28 =	simm.s32 $_size_execute0_lowered;
	s3 =	sadd.s32 s3, s5;
	[dreg:$0x0] =	wrdreg $0x0  }
0xa8: {  	s5 =	sshll.u32 s28, $0x1;
	[dreg:$0x2] =	wrdreg s3  }
0xa9: {  	[dreg:$0x3] =	wrdreg s5  }
0xaa: {  	[dreg:$0x4] =	wrdreg $0xC0  }
0xab: {  	_ =	task [dreg:s7], $0x5FFFF  }
0xac: {  	[dreg:$0x1] =	wrdreg $0xFFFFFFFF  }
0xad: {  	[dreg:$0x0] =	wrdreg $0x60  }
0xae: {  	[dreg:$0x2] =	wrdreg s2  }
0xaf: {  	[dreg:$0x3] =	wrdreg s24  }
0xb0: {  	[dreg:$0x4] =	wrdreg $0x0  }
0xb1: {  	[dreg:$0x5] =	wrdreg $0x9  }
0xb2: {  	_ =	task.clear_ibuf [dreg:s7], $0x6FFFF;
	_ =	strace $0x90000049  }
0xb3: {  	s29 =	simm.s32 $0x9;
	_ =	strace $0x8000004B  }
0xb4: {  	_ =	swait.ge [sflag:s29], $0x1  }
0xb5: {  	[sflag:s29] =	ssyncadd.s32 $0xFFFFFFFF  }
0xb6: {  	_ =	strace $0x9000004B  }
0xb7: {  	_ =	sfence  }
0xb8: {  	s30 =	sld [smem:$0x0];
	_ =	sdelay $0x2  }
0xb9: {  	s31 =	sshll.u32 s1, $0xD;
	s1 =	sshrl.u32 s1, $0x2  }
0xba: {  	s3 =	sand.u32 $0x4000, s31;
	s1 =	sadd.s32 s1, s30  }
0xbb: {  	s0 =	sor.u32 s3, s0;
	s1 =	sshll.u32 s1, $0x11  }
0xbc: {  	s0 =	sor.u32 s1, s0  }
0xbd: {  	s0 =	sadd.s32 $0x8F2B, s0  }
0xbe: {  	[sflag:s0] =	ssyncadd.remote.s32 $0x1  }
0xbf: {  	_ =	sfence.sel $0xFFFF  }
0xc0: {  	[dreg:$0x0] =	wrdreg $0xFFFFFFFF;
	(pc) =	sbr.abs _section_cstart, $3  }
0xc1: {  	[dreg:$0x1] =	wrdreg $0xFFFFFFFF  }
0xc2: {  	_ =	task.clear_ibuf [dreg:s7], $0x2FFFF;
	_ =	strace $0x9FFFFFFF  }
0xc3: {  	(tm) =	ssettm $0x7FFFFFFF  }
tec
execute0_lowered:
.L_overlay_start_1:
0x0: {  	(tag) =	ssettag $0x1  }
0x1: {  	s0 =	rddreg [dreg:$0x0]  }
0x2: {  	s2 =	rddreg [dreg:$0x1]  }
0x3: {  	s1 =	rddreg [dreg:$0x2];
	s3 =	simm.s32 $0x0  }
0x4: {  	s11 =	stileid.u32;
	s4 =	srdreg.scid;
	s18 =	simm.s32 $0x5  }
0x5: {  	s28 =	simm.s32 $0x18000;
	s29 =	simm.s32 $0x1;
	s30 =	simm.s32 $0x2  }
0x6: {  	s31 =	simm.s32 $0x0;
	[smem:$0x7FF] =	sst s3;
	s5 =	sadd.s32 $0xEC00, s2  }
0x7: {  	s12 =	smul.u32 $0x2800, s11;
	s13 =	sand.u32 $0x1, s4;
	s4 =	sadd.s32 $0x40C00, s2  }
0x8: {  	s7 =	smul.u32 $0x50000, s11;
	s20 =	sshll.u32 s11, $0x6;
	_ =	strace $0x8000004A  }
0x9: {  	s6 =	sshll.u32 s13, $0x4;
	s8 =	ssub.s32 $0x2, s13;
	s15 =	smul.u32 $0x28000, s13  }
0xa: {  	p0 =	seq.s32 s13, $0x1;
	s13 =	simm.s32 $0xB8C00;
	s2 =	sadd.s32 s12, s2  }
0xb: {  	s6 =	sor.u32 s11, s6;
	s9 =	sshrl.u32 s8, $0x1;
	s19 =	sshrl.u32 s7, $0x2  }
0xc: {  	s7 =	sor.u32 $0x1C05, s20;
	s13 =	simm.s32 @!p0 $0x90C00;
	s20 =	simm.s32 $0x1C080  }
0xd: {  	s10 =	smul.u32 $0x2800, s6;
	s14 =	ssub.s32 s8, s9;
	s6 =	sadd.s32 s19, s1  }
0xe: {  	s21 =	sadd.s32 $0x68C00, s2;
	s15 =	sadd.s32 s12, s15;
	[dreg:$0x4] =	wrdreg s6  }
0xf: {  	s13 =	sadd.s32 s13, s2;
	s19 =	simm.s32 $0x1C000;
	[dreg:$0x5] =	wrdreg s21  }
0x10: {  	s12 =	smax.u32 s14, $0x1;
	s24 =	sor.u32 $0x180, s15;
	s16 =	sor.u32 $0x100, s15  }
0x11: {  	s21 =	simm.s32 $0x1C100;
	s22 =	sshrl.u32 s10, $0x3;
	s25 =	sshrl.u32 s24, $0x3  }
0x12: {  	s26 =	sshrl.u32 s16, $0x3;
	s24 =	simm.s32 $0x80;
	s8 =	sadd.s32 s0, s22  }
0x13: {  	s23 =	sor.u32 $0x10, s22;
	s9 =	sadd.s32 s5, s22;
	s14 =	sadd.s32 s25, s5  }
0x14: {  	s15 =	sadd.s32 s25, s0;
	s16 =	sadd.s32 s26, s5;
	s17 =	sadd.s32 s26, s0  }
0x15: {  	s22 =	simm.s32 $0x1C180;
	s25 =	simm.s32 $0x14000;
	s26 =	simm.s32 $0x4  }
0x16: {  	s10 =	sadd.s32 s0, s23;
	s11 =	sadd.s32 s5, s23;
	s23 =	simm.s32 $0x3  }
.LBB2_1:
0x17: {  	s0 =	rddreg [dreg:$0x4]  }
0x18: {  	s2 =	rddreg [dreg:$0x5];
	s0 =	sshrl.u32 s0, $0x3  }
0x19: {  	[spmem:s0], [sflag:s7] =	dma.local [hbm:s2], $0x2800  }
0x1a: {  	_ =	swait.ge [sflag:s18], $0x2800  }
0x1b: {  	[sflag:s18] =	ssyncset.done $0x0  }
0x1c: {  	[sflag:s18] =	ssyncadd.s32 $0xFFFFD800  }
0x1d: {  	[bflag:$0x0] =	sbarrier.arrive $0xFFFF  }
0x1e: {  	[tilespmem:s19], [sflag:$0x3] =	stream.linear.gather [hbm4b:s8+s3], $0x80, $0x38;
	[tilespmem:$0x1C200] =	vst v63  }
0x1f: {  	_ = 	snop  }
0x20: {  	[tilespmem:s20], [sflag:$0x3] =	stream.linear.gather [hbm4b:s9+s3], $0x80, $0x38;
	[tilespmem:$0x1C200] =	vst v63  }
0x21: {  	_ = 	snop  }
0x22: {  	[tilespmem:s21], [sflag:$0x4] =	stream.linear.gather [hbm4b:s10+s3], $0x80, $0x38;
	[tilespmem:$0x1C200] =	vst v63  }
0x23: {  	_ = 	snop  }
0x24: {  	[tilespmem:s22], [sflag:$0x4] =	stream.linear.gather [hbm4b:s11+s3], $0x80, $0x38;
	[tilespmem:$0x1C200] =	vst v63  }
0x25: {  	_ =	swait.ge [sflag:s23], $0x80  }
0x26: {  	[sflag:s23] =	ssyncset.done $0x0  }
0x27: {  	[sflag:s23] =	ssyncadd.s32 $0xFFFFFF80  }
0x28: {  	_ =	swait.ge [sflag:s23], $0x80  }
0x29: {  	[sflag:s23] =	ssyncset.done $0x0  }
0x2a: {  	[sflag:s23] =	ssyncadd.s32 $0xFFFFFF80  }
0x2b: {  	[tilespmem:s25], [sflag:$0x1] =	stream.indirect.gather [hbm4b:s4+s24], $0x80, s19, s24, $0xb8;
	[tilespmem:$0x1C200] =	vst v63  }
0x2c: {  	_ =	swait.ge [sflag:s26], $0x80  }
0x2d: {  	[sflag:s26] =	ssyncset.done $0x0  }
0x2e: {  	[sflag:s26] =	ssyncadd.s32 $0xFFFFFF80  }
0x2f: {  	_ =	swait.ge [sflag:s26], $0x80  }
0x30: {  	[sflag:s26] =	ssyncset.done $0x0  }
0x31: {  	[sflag:s26] =	ssyncadd.s32 $0xFFFFFF80  }
0x32: {  	[tilespmem:s28], [sflag:$0x2] =	stream.indirect.gather [hbm4b:s4+s24], $0x80, s21, s24, $0xb8;
	[tilespmem:$0x1C200] =	vst v63  }
0x33: {  	_ =	swait.ge [sflag:s29], $0x4000  }
0x34: {  	[sflag:s29] =	ssyncset.done $0x0  }
0x35: {  	[sflag:s29] =	ssyncadd.s32 $0xFFFFC000  }
0x36: {  	[spmem:s1] =	stream.indirect.scatter.add.f32 [tilespmem:s25], [sflag:$0x5], $0x80, s20, s24, $0xb8;
	[tilespmem:$0x1C200] =	vst v63  }
0x37: {  	_ =	swait.ge [sflag:s18], $0x4000  }
0x38: {  	[sflag:s18] =	ssyncset.done $0x0  }
0x39: {  	s6 =	sadd.s32 $0x0, s17;
	[sflag:s18] =	ssyncadd.s32 $0xFFFFC000  }
0x3a: {  	[tilespmem:s19], [sflag:$0x3] =	stream.linear.gather [hbm4b:s6+s3], $0x80, $0x38;
	[tilespmem:$0x1C200] =	vst v63  }
0x3b: {  	s5 =	sadd.s32 $0x0, s16  }
0x3c: {  	[tilespmem:s20], [sflag:$0x3] =	stream.linear.gather [hbm4b:s5+s3], $0x80, $0x38;
	[tilespmem:$0x1C200] =	vst v63  }
0x3d: {  	_ =	swait.ge [sflag:s23], $0x80  }
0x3e: {  	[sflag:s23] =	ssyncset.done $0x0  }
0x3f: {  	[sflag:s23] =	ssyncadd.s32 $0xFFFFFF80  }
0x40: {  	_ =	swait.ge [sflag:s23], $0x80  }
0x41: {  	[sflag:s23] =	ssyncset.done $0x0  }
0x42: {  	[sflag:s23] =	ssyncadd.s32 $0xFFFFFF80  }
0x43: {  	[tilespmem:s25], [sflag:$0x1] =	stream.indirect.gather [hbm4b:s4+s24], $0x80, s19, s24, $0xb8;
	[tilespmem:$0x1C200] =	vst v63  }
0x44: {  	_ =	swait.ge [sflag:s30], $0x4000  }
0x45: {  	[sflag:s30] =	ssyncset.done $0x0  }
0x46: {  	[sflag:s30] =	ssyncadd.s32 $0xFFFFC000  }
0x47: {  	[spmem:s1] =	stream.indirect.scatter.add.f32 [tilespmem:s28], [sflag:$0x5], $0x80, s22, s24, $0xb8;
	[tilespmem:$0x1C200] =	vst v63  }
0x48: {  	_ =	swait.ge [sflag:s18], $0x4000  }
0x49: {  	s2 =	simm.s32 $0x20;
	[sflag:s18] =	ssyncset.done $0x0  }
0x4a: {  	s6 =	sadd.s32 $0x0, s15;
	s5 =	sadd.s32 $0x0, s14;
	[sflag:s18] =	ssyncadd.s32 $0xFFFFC000  }
0x4b: {  	[tilespmem:s21], [sflag:$0x4] =	stream.linear.gather [hbm4b:s6+s3], $0x80, $0x38;
	[tilespmem:$0x1C200] =	vst v63  }
.LBB2_2:
0x4c: {  	[tilespmem:s22], [sflag:$0x4] =	stream.linear.gather [hbm4b:s5+s3], $0x80, $0x38;
	[tilespmem:$0x1C200] =	vst v63  }
0x4d: {  	s5 =	smov.u32 s2  }
0x4e: {  	p0 =	sne.s32 s2, $0x4C0;
	s2 =	sadd.s32 $0x20, s2;
	_ =	swait.ge [sflag:s26], $0x80  }
0x4f: {  	[sflag:s26] =	ssyncset.done $0x0  }
0x50: {  	[sflag:s26] =	ssyncadd.s32 $0xFFFFFF80  }
0x51: {  	_ =	swait.ge [sflag:s26], $0x80  }
0x52: {  	[sflag:s26] =	ssyncset.done $0x0  }
0x53: {  	[sflag:s26] =	ssyncadd.s32 $0xFFFFFF80  }
0x54: {  	[tilespmem:s28], [sflag:$0x2] =	stream.indirect.gather [hbm4b:s4+s24], $0x80, s21, s24, $0xb8;
	[tilespmem:$0x1C200] =	vst v63  }
0x55: {  	_ =	swait.ge [sflag:s29], $0x4000  }
0x56: {  	[sflag:s29] =	ssyncset.done $0x0  }
0x57: {  	[sflag:s29] =	ssyncadd.s32 $0xFFFFC000  }
0x58: {  	[spmem:s1] =	stream.indirect.scatter.add.f32 [tilespmem:s25], [sflag:$0x5], $0x80, s20, s24, $0xb8;
	[tilespmem:$0x1C200] =	vst v63  }
0x59: {  	_ =	swait.ge [sflag:s18], $0x4000  }
0x5a: {  	[sflag:s18] =	ssyncset.done $0x0  }
0x5b: {  	s6 =	sadd.s32 s5, s17;
	[sflag:s18] =	ssyncadd.s32 $0xFFFFC000  }
0x5c: {  	[tilespmem:s19], [sflag:$0x3] =	stream.linear.gather [hbm4b:s6+s3], $0x80, $0x38;
	[tilespmem:$0x1C200] =	vst v63  }
0x5d: {  	s6 =	sadd.s32 s5, s16  }
0x5e: {  	[tilespmem:s20], [sflag:$0x3] =	stream.linear.gather [hbm4b:s6+s3], $0x80, $0x38;
	[tilespmem:$0x1C200] =	vst v63  }
0x5f: {  	_ =	swait.ge [sflag:s23], $0x80  }
0x60: {  	[sflag:s23] =	ssyncset.done $0x0  }
0x61: {  	[sflag:s23] =	ssyncadd.s32 $0xFFFFFF80  }
0x62: {  	_ =	swait.ge [sflag:s23], $0x80  }
0x63: {  	[sflag:s23] =	ssyncset.done $0x0  }
0x64: {  	[sflag:s23] =	ssyncadd.s32 $0xFFFFFF80  }
0x65: {  	[tilespmem:s25], [sflag:$0x1] =	stream.indirect.gather [hbm4b:s4+s24], $0x80, s19, s24, $0xb8;
	[tilespmem:$0x1C200] =	vst v63  }
0x66: {  	_ =	swait.ge [sflag:s30], $0x4000  }
0x67: {  	[sflag:s30] =	ssyncset.done $0x0  }
0x68: {  	[sflag:s30] =	ssyncadd.s32 $0xFFFFC000  }
0x69: {  	[spmem:s1] =	stream.indirect.scatter.add.f32 [tilespmem:s28], [sflag:$0x5], $0x80, s22, s24, $0xb8;
	[tilespmem:$0x1C200] =	vst v63  }
.Ltmp0:
0x6a: {  	_ =	swait.ge [sflag:s18], $0x4000;
	(pc) =	sbr.rel @p0 .LBB2_2-.Ltmp0, $4  }
0x6b: {  	[sflag:s18] =	ssyncset.done $0x0  }
0x6c: {  	s6 =	sadd.s32 s5, s15;
	[sflag:s18] =	ssyncadd.s32 $0xFFFFC000  }
0x6d: {  	[tilespmem:s21], [sflag:$0x4] =	stream.linear.gather [hbm4b:s6+s3], $0x80, $0x38;
	[tilespmem:$0x1C200] =	vst v63  }
0x6e: {  	s5 =	sadd.s32 s5, s14  }
0x6f: {  	[tilespmem:s22], [sflag:$0x4] =	stream.linear.gather [hbm4b:s5+s3], $0x80, $0x38;
	[tilespmem:$0x1C200] =	vst v63  }
0x70: {  	_ =	swait.ge [sflag:s26], $0x80  }
0x71: {  	[sflag:s26] =	ssyncset.done $0x0  }
0x72: {  	[sflag:s26] =	ssyncadd.s32 $0xFFFFFF80  }
0x73: {  	_ =	swait.ge [sflag:s26], $0x80  }
0x74: {  	[sflag:s26] =	ssyncset.done $0x0  }
0x75: {  	[sflag:s26] =	ssyncadd.s32 $0xFFFFFF80  }
0x76: {  	[tilespmem:s28], [sflag:$0x2] =	stream.indirect.gather [hbm4b:s4+s24], $0x80, s21, s24, $0xb8;
	[tilespmem:$0x1C200] =	vst v63  }
0x77: {  	_ =	swait.ge [sflag:s29], $0x4000  }
0x78: {  	[sflag:s29] =	ssyncset.done $0x0  }
0x79: {  	[sflag:s29] =	ssyncadd.s32 $0xFFFFC000  }
0x7a: {  	[spmem:s1] =	stream.indirect.scatter.add.f32 [tilespmem:s25], [sflag:$0x5], $0x80, s20, s24, $0xb8;
	[tilespmem:$0x1C200] =	vst v63  }
0x7b: {  	_ =	swait.ge [sflag:s18], $0x4000  }
0x7c: {  	[sflag:s18] =	ssyncset.done $0x0  }
0x7d: {  	[sflag:s18] =	ssyncadd.s32 $0xFFFFC000  }
0x7e: {  	_ =	swait.ge [sflag:s30], $0x4000  }
0x7f: {  	[sflag:s30] =	ssyncset.done $0x0  }
0x80: {  	[sflag:s30] =	ssyncadd.s32 $0xFFFFC000  }
0x81: {  	[spmem:s1] =	stream.indirect.scatter.add.f32 [tilespmem:s28], [sflag:$0x5], $0x80, s22, s24, $0xb8;
	[tilespmem:$0x1C200] =	vst v63  }
0x82: {  	_ =	swait.ge [sflag:s18], $0x4000  }
0x83: {  	s31 =	sadd.s32 $0x1, s31;
	[sflag:s18] =	ssyncset.done $0x0  }
0x84: {  	p0 =	sne.s32 s31, s12;
	[sflag:s18] =	ssyncadd.s32 $0xFFFFC000  }
.Ltmp1:
0x85: {  	[bflag:$0x0] =	sbarrier.arrive $0xFFFF;
	(pc) =	sbr.rel @p0 .LBB2_1-.Ltmp1, $4  }
0x86: {  	[hbm:s13], [sflag:s7] =	dma.local [spmem:s0], $0x2800  }
0x87: {  	_ =	swait.ge [sflag:s18], $0x2800  }
0x88: {  	[sflag:s18] =	ssyncset.done $0x0  }
0x89: {  	[sflag:s18] =	ssyncadd.s32 $0xFFFFD800  }
0x8a: {  	_ =	sfence.sel $0x180000  }
0x8b: {  	[bflag:$0x0] =	sbarrier.arrive $0xFFFF  }
0x8c: {  	_ =	strace $0x9000004A  }
0x8d: {  	s0 =	stileid.u32;
	[bflag:$0x2] =	sbarrier.arrive $0xFFFF  }
0x8e: {  	p0 =	sne.s32 s0, $0x0;
	s0 =	rddreg [dreg:$0x3]  }
0x8f: {  	s0 =	sadd.s32 @!p0 $0x100000, s0  }
0x90: {  	[sflag:s0] =	ssyncadd.tile.s32 @!p0 $0x1;
	_ =	shalt  }
.Lfunc_end2:
_tile_overlayer_lowered:
.L_overlay_start_2:
0x91: {  	(tag) =	ssettag $0x2  }
0x92: {  	s0 =	rddreg [dreg:$0x0];
	s2 =	stileid.u32  }
0x93: {  	s1 =	rddreg [dreg:$0x1];
	p0 =	sne.s32 s2, $0x0  }
0x94: {  	s3 =	rddreg [dreg:$0x2];
	[bflag:$0x3] =	sbarrier.arrive $0xFFFF;
	s2 =	simm.s32 @!p0 $0x1C05  }
0x95: {  	[timem:s3], [sflag:s2] =	dma.local @!p0 [hbm:s0], s1  }
0x96: {  	s0 =	simm.s32 @!p0 $0x5  }
0x97: {  	_ =	swait.ge @!p0 [sflag:s0], s1  }
0x98: {  	s1 =	ssub.s32 @!p0 $0x0, s1;
	[sflag:s0] =	ssyncset.done @!p0 $0x0  }
0x99: {  	[sflag:s0] =	ssyncadd.s32 @!p0 s1  }
0x9a: {  	[bflag:$0x3] =	sbarrier.arrive $0xFFFF  }
0x9b: {  	_ =	shalt  }

// kernel: kernel.14.cloned.1.call-start
scs
__scs_entry_jumppad:
0x0: {  	(pc) =	sbr.rel $0x88, $3  }
0x1: {  	(tag) =	ssettag $0x0;
	lr =	simm.s32 $0x1  }
0x2: {  	[smem:$0x3F9B] =	sst lr;
	_ =	strace $0xD0000000  }
0x3: {  	_ = 	snop  }
0x4: {  	_ = 	snop  }
0x5: {  	_ = 	snop  }
0x6: {  	_ = 	snop  }
0x7: {  	_ = 	snop  }
__scs_overlays_trampoline_lowered:
0x8: {  	[smem:$0x3FAA] =	sst s0  }
0x9: {  	[smem:$0x3FAB] =	sst s1  }
0xa: {  	[smem:$0x3FAC] =	sst s2  }
0xb: {  	[smem:$0x3FAD] =	sst s3  }
0xc: {  	[smem:$0x3FAE] =	sst s4  }
0xd: {  	[smem:$0x3FAF] =	sst s5  }
0xe: {  	[smem:$0x3FB0] =	sst s6  }
0xf: {  	[smem:$0x3FB1] =	sst s7  }
0x10: {  	[smem:$0x3FB2] =	sst s8  }
0x11: {  	[smem:$0x3FB3] =	sst s9;
	s0 =	simm.s32 @!p0 $0x0  }
0x12: {  	s1 =	sld [smem:$0x3F99];
	s0 =	simm.s32 @p0 $0x1  }
0x13: {  	[smem:$0x3FB4] =	sst s0;
	s0 =	simm.s32 @!p1 $0x0  }
0x14: {  	s2 =	sld [smem:$0x3F98];
	s0 =	simm.s32 @p1 $0x1  }
0x15: {  	[smem:$0x3FB5] =	sst s0;
	s0 =	simm.s32 @!p2 $0x0  }
0x16: {  	s3 =	sld [smem:$0x3FDB];
	s0 =	simm.s32 @p2 $0x1  }
0x17: {  	s4 =	simm.s32 $0x1BF5;
	[smem:$0x3FB7] =	sst s0  }
0x18: {  	s0 =	sld [smem:$0x3F9A];
	_ =	swait.ge [sflag:s4], $0x0  }
0x19: {  	s7 =	sld [smem:$0x3F9B]  }
0x1a: {  	s8 =	sadd.s32 $0xFFFFE003, lr  }
0x1b: {  	s9 =	sadd.s32 $0xFFFFFEF7, lr;
	s5 =	simm.s32 $0xFFFFFFFF;
	p2 =	slt.u32 s8, $0xFFFFF086  }
0x1c: {  	p1 =	slt.u32 s9, $0xF7A;
	s5 =	simm.s32 @!p2 $0x0  }
0x1d: {  	s5 =	simm.s32 @p1 $0x1;
	p0 =	seq.s32 s7, s2  }
0x1e: {  	s7 =	smul.u32 @!p0 $0xF7A, s2;
	p2 =	seq.s32 @!p0 s5, $0x0  }
0x1f: {  	s9 =	smul.u32 $0xF7A, s1;
	s8 =	simm.s32 @!p0 $0x1BF5;
	p2 =	por !p2, p0  }
0x20: {  	[sflag:s8] =	ssyncset.s32 @!p0 $0xFFFFF086;
	s6 =	sadd.s32 @!p0 s3, s7;
	s7 =	simm.s32 @!p0 $0x108  }
0x21: {  	s3 =	sadd.s32 s3, s9;
	s6 =	sadd.s32 @!p0 $0x88, s6;
	s7 =	simm.s32 @p2 $0x1082  }
0x22: {  	[simem:s7], [sflag:s8] =	dma.local @!p0 [hbm:s6], $0xF7A  }
0x23: {  	s9 =	sor.u32 $0xD0000000, s2;
	s6 =	simm.s32 $0x108;
	_ =	swait.ge @!p0 [sflag:s8], $0x0  }
0x24: {  	s3 =	sadd.s32 $0x88, s3;
	s6 =	simm.s32 @!p1 $0x1082;
	[sflag:s4] =	ssyncset.s32 $0xFFFFF086  }
0x25: {  	[simem:s6], [sflag:s4] =	dma.local [hbm:s3], $0xF7A  }
0x26: {  	[smem:$0x3F9B] =	sst s1;
	(tag) =	ssettag s2;
	_ =	strace s9  }
0x27: {  	s1 =	sld [smem:$0x3FAB]  }
0x28: {  	s2 =	sld [smem:$0x3FAC]  }
0x29: {  	s4 =	sld [smem:$0x3FAE]  }
0x2a: {  	p0 =	seq.s32 s5, $0x0;
	s5 =	sld [smem:$0x3FAF]  }
0x2b: {  	s6 =	sld [smem:$0x3FB0]  }
0x2c: {  	s7 =	sld [smem:$0x3FB1]  }
0x2d: {  	s3 =	simm.s32 $0x108;
	s8 =	sld [smem:$0x3FB2]  }
0x2e: {  	s3 =	simm.s32 @!p0 $0x1082;
	s9 =	sld [smem:$0x3FB3]  }
0x2f: {  	lr =	sadd.s32 s0, s3;
	s0 =	sld [smem:$0x3FAA]  }
0x30: {  	s3 =	sld [smem:$0x3FAD]  }
0x31: {  	[smem:$0x3FB6] =	sst s10  }
0x32: {  	s10 =	sld [smem:$0x3FB4];
	_ =	sdelay $0x3  }
0x33: {  	p0 =	seq.s32 s10, $0x1;
	s10 =	sld [smem:$0x3FB6];
	_ =	sdelay $0x3  }
0x34: {  	[smem:$0x3FB6] =	sst s10  }
0x35: {  	s10 =	sld [smem:$0x3FB5];
	_ =	sdelay $0x3  }
0x36: {  	p1 =	seq.s32 s10, $0x1;
	s10 =	sld [smem:$0x3FB6];
	_ =	sdelay $0x3  }
0x37: {  	[smem:$0x3FB6] =	sst s10  }
0x38: {  	s10 =	sld [smem:$0x3FB7]  }
0x39: {  	_ = 	snop;
	(pc) =	sbr.ind lr, $3  }
0x3a: {  	_ = 	snop  }
0x3b: {  	_ = 	snop  }
0x3c: {  	p2 =	seq.s32 s10, $0x1;
	s10 =	sld [smem:$0x3FB6]  }
0x3d: {  	_ =	shalt  }
0x3e: {  	_ =	shalt  }
0x3f: {  	_ =	shalt  }
0x40: {  	_ =	shalt  }
0x41: {  	_ =	shalt  }
0x42: {  	_ =	shalt  }
0x43: {  	_ =	shalt  }
0x44: {  	_ =	shalt  }
0x45: {  	_ =	shalt  }
0x46: {  	_ =	shalt  }
0x47: {  	_ =	shalt  }
0x48: {  	_ =	shalt  }
0x49: {  	_ =	shalt  }
0x4a: {  	_ =	shalt  }
0x4b: {  	_ =	shalt  }
0x4c: {  	_ =	shalt  }
0x4d: {  	_ =	shalt  }
0x4e: {  	_ =	shalt  }
0x4f: {  	_ =	shalt  }
0x50: {  	_ =	shalt  }
0x51: {  	_ =	shalt  }
0x52: {  	_ =	shalt  }
0x53: {  	_ =	shalt  }
0x54: {  	_ =	shalt  }
0x55: {  	_ =	shalt  }
0x56: {  	_ =	shalt  }
0x57: {  	_ =	shalt  }
0x58: {  	_ =	shalt  }
0x59: {  	_ =	shalt  }
0x5a: {  	_ =	shalt  }
0x5b: {  	_ =	shalt  }
0x5c: {  	_ =	shalt  }
0x5d: {  	_ =	shalt  }
0x5e: {  	_ =	shalt  }
0x5f: {  	_ =	shalt  }
0x60: {  	_ =	shalt  }
0x61: {  	_ =	shalt  }
0x62: {  	_ =	shalt  }
0x63: {  	_ =	shalt  }
0x64: {  	_ =	shalt  }
0x65: {  	_ =	shalt  }
0x66: {  	_ =	shalt  }
0x67: {  	_ =	shalt  }
0x68: {  	_ =	shalt  }
0x69: {  	_ =	shalt  }
0x6a: {  	_ =	shalt  }
0x6b: {  	_ =	shalt  }
0x6c: {  	_ =	shalt  }
0x6d: {  	_ =	shalt  }
0x6e: {  	_ =	shalt  }
0x6f: {  	_ =	shalt  }
0x70: {  	_ =	shalt  }
0x71: {  	_ =	shalt  }
0x72: {  	_ =	shalt  }
0x73: {  	_ =	shalt  }
0x74: {  	_ =	shalt  }
0x75: {  	_ =	shalt  }
0x76: {  	_ =	shalt  }
0x77: {  	_ =	shalt  }
0x78: {  	_ =	shalt  }
0x79: {  	_ =	shalt  }
0x7a: {  	_ =	shalt  }
0x7b: {  	_ =	shalt  }
0x7c: {  	_ =	shalt  }
0x7d: {  	_ =	shalt  }
0x7e: {  	_ =	shalt  }
0x7f: {  	_ =	shalt  }
0x80: {  	_ =	shalt  }
0x81: {  	_ =	shalt  }
0x82: {  	_ =	shalt  }
0x83: {  	_ =	shalt  }
0x84: {  	_ =	shalt  }
0x85: {  	_ =	shalt  }
0x86: {  	_ =	shalt  }
0x87: {  	_ =	shalt  }
.Lfunc_end0:
.L_simem_size_0:
called_computation.2_lowered:
.L_overlay_start_0:
0x88: {  	s2 =	sld [smem:$0x3FD9]  }
0x89: {  	s3 =	sld [smem:$0x3FFE];
	_ =	sdelay $0x1  }
0x8a: {  	s1 =	srdreg.scid  }
0x8b: {  	s0 =	sand.u32 $0x1, s1  }
0x8c: {  	s17 =	sshll.u32 s0, $0xA;
	s2 =	sadd.s32 s3, s2  }
0x8d: {  	s2 =	sadd.s32 s2, s17  }
0x8e: {  	[smem:$0x3FC2] =	sst s2  }
0x8f: {  	_ = 	snop  }
0x90: {  	s2 =	sld [smem:$0x3FD0];
	(tm) =	ssettm $0x1  }
0x91: {  	s18 =	sld [smem:$0x3FFB];
	_ =	sdelay $0x3  }
0x92: {  	_ =	strace s18  }
0x93: {  	s3 =	sld [smem:$0x3FFC];
	_ =	sdelay $0x3  }
0x94: {  	_ =	strace s3  }
0x95: {  	s3 =	sld [smem:$0x3FFD];
	_ =	sdelay $0x3  }
0x96: {  	_ =	strace s3  }
0x97: {  	_ =	strace $0x8FFFFFFF  }
0x98: {  	s19 =	sld [smem:$0x3FDB];
	_ =	sdelay $0x1  }
0x99: {  	s4 =	simm.s32 $_scs_section_size  }
0x9a: {  	s5 =	simm.s32 $_size__tile_overlayer_lowered;
	s6 =	simm.s32 $_tile_overlayer_lowered  }
0x9b: {  	s22 =	simm.s32 $0x1BFF;
	s21 =	sshll.u32 s6, $0x1;
	s3 =	sadd.s32 s4, s19  }
0x9c: {  	s7 =	simm.s32 $0x0;
	s20 =	sshll.u32 s5, $0x1;
	s5 =	sadd.s32 s21, s3  }
0x9d: {  	[timem:s7], [sflag:s22] =	dma.local [hbm:s5], s20  }
0x9e: {  	_ =	swait.ge [sflag:s22], s20  }
0x9f: {  	s4 =	ssub.s32 $0x0, s20;
	[sflag:s22] =	ssyncset.done $0x0  }
0xa0: {  	[sflag:s22] =	ssyncadd.s32 s4;
	_ =	sdelay $0x1  }
0xa1: {  	s23 =	simm.s32 $0x1B8B  }
0xa2: {  	_ =	swait.ge [sflag:s23], $0x1  }
0xa3: {  	[sflag:s23] =	ssyncset.done $0x0  }
0xa4: {  	s25 =	simm.s32 $0x1B8E;
	s24 =	sld [smem:$0x3FFE];
	[sflag:s23] =	ssyncadd.s32 $0xFFFFFFFF  }
0xa5: {  	s26 =	simm.s32 $execute0_lowered;
	[smem:$0x3FD2] =	sst s25  }
0xa6: {  	s5 =	sshll.u32 s26, $0x1;
	_ =	strace $0x8000004C;
	[dreg:$0x1] =	wrdreg $0xFFFFFFFF  }
0xa7: {  	s28 =	simm.s32 $_size_execute0_lowered;
	s3 =	sadd.s32 s3, s5;
	[dreg:$0x0] =	wrdreg $0x0  }
0xa8: {  	s5 =	sshll.u32 s28, $0x1;
	[dreg:$0x2] =	wrdreg s3  }
0xa9: {  	[dreg:$0x3] =	wrdreg s5  }
0xaa: {  	[dreg:$0x4] =	wrdreg $0xC0  }
0xab: {  	_ =	task [dreg:s7], $0x5FFFF  }
0xac: {  	[dreg:$0x1] =	wrdreg $0xFFFFFFFF  }
0xad: {  	[dreg:$0x0] =	wrdreg $0x60  }
0xae: {  	[dreg:$0x2] =	wrdreg s2  }
0xaf: {  	[dreg:$0x3] =	wrdreg s24  }
0xb0: {  	[dreg:$0x4] =	wrdreg $0x0  }
0xb1: {  	[dreg:$0x5] =	wrdreg $0x9  }
0xb2: {  	_ =	task.clear_ibuf [dreg:s7], $0x6FFFF;
	_ =	strace $0x9000004C  }
0xb3: {  	s29 =	simm.s32 $0x9;
	_ =	strace $0x8000004E  }
0xb4: {  	_ =	swait.ge [sflag:s29], $0x1  }
0xb5: {  	[sflag:s29] =	ssyncadd.s32 $0xFFFFFFFF  }
0xb6: {  	_ =	strace $0x9000004E  }
0xb7: {  	_ =	sfence  }
0xb8: {  	s30 =	sld [smem:$0x0];
	_ =	sdelay $0x2  }
0xb9: {  	s31 =	sshll.u32 s1, $0xD;
	s1 =	sshrl.u32 s1, $0x2  }
0xba: {  	s3 =	sand.u32 $0x4000, s31;
	s1 =	sadd.s32 s1, s30  }
0xbb: {  	s0 =	sor.u32 s3, s0;
	s1 =	sshll.u32 s1, $0x11  }
0xbc: {  	s0 =	sor.u32 s1, s0  }
0xbd: {  	s0 =	sadd.s32 $0x8F2B, s0  }
0xbe: {  	[sflag:s0] =	ssyncadd.remote.s32 $0x1  }
0xbf: {  	_ =	sfence.sel $0xFFFF  }
0xc0: {  	[dreg:$0x0] =	wrdreg $0xFFFFFFFF;
	(pc) =	sbr.abs _section_cstart, $3  }
0xc1: {  	[dreg:$0x1] =	wrdreg $0xFFFFFFFF  }
0xc2: {  	_ =	task.clear_ibuf [dreg:s7], $0x2FFFF;
	_ =	strace $0x9FFFFFFF  }
0xc3: {  	(tm) =	ssettm $0x7FFFFFFF  }
tec
execute0_lowered:
.L_overlay_start_1:
0x0: {  	(tag) =	ssettag $0x1  }
0x1: {  	s0 =	rddreg [dreg:$0x0]  }
0x2: {  	s2 =	rddreg [dreg:$0x1]  }
0x3: {  	s1 =	rddreg [dreg:$0x2];
	s3 =	simm.s32 $0x0  }
0x4: {  	s11 =	stileid.u32;
	s4 =	srdreg.scid;
	s18 =	simm.s32 $0x5  }
0x5: {  	s28 =	simm.s32 $0x18000;
	s29 =	simm.s32 $0x1;
	s30 =	simm.s32 $0x2  }
0x6: {  	s31 =	simm.s32 $0x0;
	[smem:$0x7FF] =	sst s3;
	s5 =	sadd.s32 $0xEC00, s2  }
0x7: {  	s12 =	smul.u32 $0x2800, s11;
	s13 =	sand.u32 $0x1, s4;
	s4 =	sadd.s32 $0x40C00, s2  }
0x8: {  	s7 =	smul.u32 $0x50000, s11;
	s20 =	sshll.u32 s11, $0x6;
	_ =	strace $0x8000004D  }
0x9: {  	s6 =	sshll.u32 s13, $0x4;
	s8 =	ssub.s32 $0x2, s13;
	s15 =	smul.u32 $0x28000, s13  }
0xa: {  	p0 =	seq.s32 s13, $0x1;
	s13 =	simm.s32 $0xB8C00;
	s2 =	sadd.s32 s12, s2  }
0xb: {  	s6 =	sor.u32 s11, s6;
	s9 =	sshrl.u32 s8, $0x1;
	s19 =	sshrl.u32 s7, $0x2  }
0xc: {  	s7 =	sor.u32 $0x1C05, s20;
	s13 =	simm.s32 @!p0 $0x90C00;
	s20 =	simm.s32 $0x1C080  }
0xd: {  	s10 =	smul.u32 $0x2800, s6;
	s14 =	ssub.s32 s8, s9;
	s6 =	sadd.s32 s19, s1  }
0xe: {  	s21 =	sadd.s32 $0x68C00, s2;
	s15 =	sadd.s32 s12, s15;
	[dreg:$0x4] =	wrdreg s6  }
0xf: {  	s13 =	sadd.s32 s13, s2;
	s19 =	simm.s32 $0x1C000;
	[dreg:$0x5] =	wrdreg s21  }
0x10: {  	s12 =	smax.u32 s14, $0x1;
	s24 =	sor.u32 $0x180, s15;
	s16 =	sor.u32 $0x100, s15  }
0x11: {  	s21 =	simm.s32 $0x1C100;
	s22 =	sshrl.u32 s10, $0x3;
	s25 =	sshrl.u32 s24, $0x3  }
0x12: {  	s26 =	sshrl.u32 s16, $0x3;
	s24 =	simm.s32 $0x80;
	s8 =	sadd.s32 s0, s22  }
0x13: {  	s23 =	sor.u32 $0x10, s22;
	s9 =	sadd.s32 s5, s22;
	s14 =	sadd.s32 s25, s5  }
0x14: {  	s15 =	sadd.s32 s25, s0;
	s16 =	sadd.s32 s26, s5;
	s17 =	sadd.s32 s26, s0  }
0x15: {  	s22 =	simm.s32 $0x1C180;
	s25 =	simm.s32 $0x14000;
	s26 =	simm.s32 $0x4  }
0x16: {  	s10 =	sadd.s32 s0, s23;
	s11 =	sadd.s32 s5, s23;
	s23 =	simm.s32 $0x3  }
.LBB2_1:
0x17: {  	s0 =	rddreg [dreg:$0x4]  }
0x18: {  	s2 =	rddreg [dreg:$0x5];
	s0 =	sshrl.u32 s0, $0x3  }
0x19: {  	[spmem:s0], [sflag:s7] =	dma.local [hbm:s2], $0x2800  }
0x1a: {  	_ =	swait.ge [sflag:s18], $0x2800  }
0x1b: {  	[sflag:s18] =	ssyncset.done $0x0  }
0x1c: {  	[sflag:s18] =	ssyncadd.s32 $0xFFFFD800  }
0x1d: {  	[bflag:$0x0] =	sbarrier.arrive $0xFFFF  }
0x1e: {  	[tilespmem:s19], [sflag:$0x3] =	stream.linear.gather [hbm4b:s8+s3], $0x80, $0x38;
	[tilespmem:$0x1C200] =	vst v63  }
0x1f: {  	_ = 	snop  }
0x20: {  	[tilespmem:s20], [sflag:$0x3] =	stream.linear.gather [hbm4b:s9+s3], $0x80, $0x38;
	[tilespmem:$0x1C200] =	vst v63  }
0x21: {  	_ = 	snop  }
0x22: {  	[tilespmem:s21], [sflag:$0x4] =	stream.linear.gather [hbm4b:s10+s3], $0x80, $0x38;
	[tilespmem:$0x1C200] =	vst v63  }
0x23: {  	_ = 	snop  }
0x24: {  	[tilespmem:s22], [sflag:$0x4] =	stream.linear.gather [hbm4b:s11+s3], $0x80, $0x38;
	[tilespmem:$0x1C200] =	vst v63  }
0x25: {  	_ =	swait.ge [sflag:s23], $0x80  }
0x26: {  	[sflag:s23] =	ssyncset.done $0x0  }
0x27: {  	[sflag:s23] =	ssyncadd.s32 $0xFFFFFF80  }
0x28: {  	_ =	swait.ge [sflag:s23], $0x80  }
0x29: {  	[sflag:s23] =	ssyncset.done $0x0  }
0x2a: {  	[sflag:s23] =	ssyncadd.s32 $0xFFFFFF80  }
0x2b: {  	[tilespmem:s25], [sflag:$0x1] =	stream.indirect.gather [hbm4b:s4+s24], $0x80, s19, s24, $0xb8;
	[tilespmem:$0x1C200] =	vst v63  }
0x2c: {  	_ =	swait.ge [sflag:s26], $0x80  }
0x2d: {  	[sflag:s26] =	ssyncset.done $0x0  }
0x2e: {  	[sflag:s26] =	ssyncadd.s32 $0xFFFFFF80  }
0x2f: {  	_ =	swait.ge [sflag:s26], $0x80  }
0x30: {  	[sflag:s26] =	ssyncset.done $0x0  }
0x31: {  	[sflag:s26] =	ssyncadd.s32 $0xFFFFFF80  }
0x32: {  	[tilespmem:s28], [sflag:$0x2] =	stream.indirect.gather [hbm4b:s4+s24], $0x80, s21, s24, $0xb8;
	[tilespmem:$0x1C200] =	vst v63  }
0x33: {  	_ =	swait.ge [sflag:s29], $0x4000  }
0x34: {  	[sflag:s29] =	ssyncset.done $0x0  }
0x35: {  	[sflag:s29] =	ssyncadd.s32 $0xFFFFC000  }
0x36: {  	[spmem:s1] =	stream.indirect.scatter.add.f32 [tilespmem:s25], [sflag:$0x5], $0x80, s20, s24, $0xb8;
	[tilespmem:$0x1C200] =	vst v63  }
0x37: {  	_ =	swait.ge [sflag:s18], $0x4000  }
0x38: {  	[sflag:s18] =	ssyncset.done $0x0  }
0x39: {  	s6 =	sadd.s32 $0x0, s17;
	[sflag:s18] =	ssyncadd.s32 $0xFFFFC000  }
0x3a: {  	[tilespmem:s19], [sflag:$0x3] =	stream.linear.gather [hbm4b:s6+s3], $0x80, $0x38;
	[tilespmem:$0x1C200] =	vst v63  }
0x3b: {  	s5 =	sadd.s32 $0x0, s16  }
0x3c: {  	[tilespmem:s20], [sflag:$0x3] =	stream.linear.gather [hbm4b:s5+s3], $0x80, $0x38;
	[tilespmem:$0x1C200] =	vst v63  }
0x3d: {  	_ =	swait.ge [sflag:s23], $0x80  }
0x3e: {  	[sflag:s23] =	ssyncset.done $0x0  }
0x3f: {  	[sflag:s23] =	ssyncadd.s32 $0xFFFFFF80  }
0x40: {  	_ =	swait.ge [sflag:s23], $0x80  }
0x41: {  	[sflag:s23] =	ssyncset.done $0x0  }
0x42: {  	[sflag:s23] =	ssyncadd.s32 $0xFFFFFF80  }
0x43: {  	[tilespmem:s25], [sflag:$0x1] =	stream.indirect.gather [hbm4b:s4+s24], $0x80, s19, s24, $0xb8;
	[tilespmem:$0x1C200] =	vst v63  }
0x44: {  	_ =	swait.ge [sflag:s30], $0x4000  }
0x45: {  	[sflag:s30] =	ssyncset.done $0x0  }
0x46: {  	[sflag:s30] =	ssyncadd.s32 $0xFFFFC000  }
0x47: {  	[spmem:s1] =	stream.indirect.scatter.add.f32 [tilespmem:s28], [sflag:$0x5], $0x80, s22, s24, $0xb8;
	[tilespmem:$0x1C200] =	vst v63  }
0x48: {  	_ =	swait.ge [sflag:s18], $0x4000  }
0x49: {  	s2 =	simm.s32 $0x20;
	[sflag:s18] =	ssyncset.done $0x0  }
0x4a: {  	s6 =	sadd.s32 $0x0, s15;
	s5 =	sadd.s32 $0x0, s14;
	[sflag:s18] =	ssyncadd.s32 $0xFFFFC000  }
0x4b: {  	[tilespmem:s21], [sflag:$0x4] =	stream.linear.gather [hbm4b:s6+s3], $0x80, $0x38;
	[tilespmem:$0x1C200] =	vst v63  }
.LBB2_2:
0x4c: {  	[tilespmem:s22], [sflag:$0x4] =	stream.linear.gather [hbm4b:s5+s3], $0x80, $0x38;
	[tilespmem:$0x1C200] =	vst v63  }
0x4d: {  	s5 =	smov.u32 s2  }
0x4e: {  	p0 =	sne.s32 s2, $0x4C0;
	s2 =	sadd.s32 $0x20, s2;
	_ =	swait.ge [sflag:s26], $0x80  }
0x4f: {  	[sflag:s26] =	ssyncset.done $0x0  }
0x50: {  	[sflag:s26] =	ssyncadd.s32 $0xFFFFFF80  }
0x51: {  	_ =	swait.ge [sflag:s26], $0x80  }
0x52: {  	[sflag:s26] =	ssyncset.done $0x0  }
0x53: {  	[sflag:s26] =	ssyncadd.s32 $0xFFFFFF80  }
0x54: {  	[tilespmem:s28], [sflag:$0x2] =	stream.indirect.gather [hbm4b:s4+s24], $0x80, s21, s24, $0xb8;
	[tilespmem:$0x1C200] =	vst v63  }
0x55: {  	_ =	swait.ge [sflag:s29], $0x4000  }
0x56: {  	[sflag:s29] =	ssyncset.done $0x0  }
0x57: {  	[sflag:s29] =	ssyncadd.s32 $0xFFFFC000  }
0x58: {  	[spmem:s1] =	stream.indirect.scatter.add.f32 [tilespmem:s25], [sflag:$0x5], $0x80, s20, s24, $0xb8;
	[tilespmem:$0x1C200] =	vst v63  }
0x59: {  	_ =	swait.ge [sflag:s18], $0x4000  }
0x5a: {  	[sflag:s18] =	ssyncset.done $0x0  }
0x5b: {  	s6 =	sadd.s32 s5, s17;
	[sflag:s18] =	ssyncadd.s32 $0xFFFFC000  }
0x5c: {  	[tilespmem:s19], [sflag:$0x3] =	stream.linear.gather [hbm4b:s6+s3], $0x80, $0x38;
	[tilespmem:$0x1C200] =	vst v63  }
0x5d: {  	s6 =	sadd.s32 s5, s16  }
0x5e: {  	[tilespmem:s20], [sflag:$0x3] =	stream.linear.gather [hbm4b:s6+s3], $0x80, $0x38;
	[tilespmem:$0x1C200] =	vst v63  }
0x5f: {  	_ =	swait.ge [sflag:s23], $0x80  }
0x60: {  	[sflag:s23] =	ssyncset.done $0x0  }
0x61: {  	[sflag:s23] =	ssyncadd.s32 $0xFFFFFF80  }
0x62: {  	_ =	swait.ge [sflag:s23], $0x80  }
0x63: {  	[sflag:s23] =	ssyncset.done $0x0  }
0x64: {  	[sflag:s23] =	ssyncadd.s32 $0xFFFFFF80  }
0x65: {  	[tilespmem:s25], [sflag:$0x1] =	stream.indirect.gather [hbm4b:s4+s24], $0x80, s19, s24, $0xb8;
	[tilespmem:$0x1C200] =	vst v63  }
0x66: {  	_ =	swait.ge [sflag:s30], $0x4000  }
0x67: {  	[sflag:s30] =	ssyncset.done $0x0  }
0x68: {  	[sflag:s30] =	ssyncadd.s32 $0xFFFFC000  }
0x69: {  	[spmem:s1] =	stream.indirect.scatter.add.f32 [tilespmem:s28], [sflag:$0x5], $0x80, s22, s24, $0xb8;
	[tilespmem:$0x1C200] =	vst v63  }
.Ltmp0:
0x6a: {  	_ =	swait.ge [sflag:s18], $0x4000;
	(pc) =	sbr.rel @p0 .LBB2_2-.Ltmp0, $4  }
0x6b: {  	[sflag:s18] =	ssyncset.done $0x0  }
0x6c: {  	s6 =	sadd.s32 s5, s15;
	[sflag:s18] =	ssyncadd.s32 $0xFFFFC000  }
0x6d: {  	[tilespmem:s21], [sflag:$0x4] =	stream.linear.gather [hbm4b:s6+s3], $0x80, $0x38;
	[tilespmem:$0x1C200] =	vst v63  }
0x6e: {  	s5 =	sadd.s32 s5, s14  }
0x6f: {  	[tilespmem:s22], [sflag:$0x4] =	stream.linear.gather [hbm4b:s5+s3], $0x80, $0x38;
	[tilespmem:$0x1C200] =	vst v63  }
0x70: {  	_ =	swait.ge [sflag:s26], $0x80  }
0x71: {  	[sflag:s26] =	ssyncset.done $0x0  }
0x72: {  	[sflag:s26] =	ssyncadd.s32 $0xFFFFFF80  }
0x73: {  	_ =	swait.ge [sflag:s26], $0x80  }
0x74: {  	[sflag:s26] =	ssyncset.done $0x0  }
0x75: {  	[sflag:s26] =	ssyncadd.s32 $0xFFFFFF80  }
0x76: {  	[tilespmem:s28], [sflag:$0x2] =	stream.indirect.gather [hbm4b:s4+s24], $0x80, s21, s24, $0xb8;
	[tilespmem:$0x1C200] =	vst v63  }
0x77: {  	_ =	swait.ge [sflag:s29], $0x4000  }
0x78: {  	[sflag:s29] =	ssyncset.done $0x0  }
0x79: {  	[sflag:s29] =	ssyncadd.s32 $0xFFFFC000  }
0x7a: {  	[spmem:s1] =	stream.indirect.scatter.add.f32 [tilespmem:s25], [sflag:$0x5], $0x80, s20, s24, $0xb8;
	[tilespmem:$0x1C200] =	vst v63  }
0x7b: {  	_ =	swait.ge [sflag:s18], $0x4000  }
0x7c: {  	[sflag:s18] =	ssyncset.done $0x0  }
0x7d: {  	[sflag:s18] =	ssyncadd.s32 $0xFFFFC000  }
0x7e: {  	_ =	swait.ge [sflag:s30], $0x4000  }
0x7f: {  	[sflag:s30] =	ssyncset.done $0x0  }
0x80: {  	[sflag:s30] =	ssyncadd.s32 $0xFFFFC000  }
0x81: {  	[spmem:s1] =	stream.indirect.scatter.add.f32 [tilespmem:s28], [sflag:$0x5], $0x80, s22, s24, $0xb8;
	[tilespmem:$0x1C200] =	vst v63  }
0x82: {  	_ =	swait.ge [sflag:s18], $0x4000  }
0x83: {  	s31 =	sadd.s32 $0x1, s31;
	[sflag:s18] =	ssyncset.done $0x0  }
0x84: {  	p0 =	sne.s32 s31, s12;
	[sflag:s18] =	ssyncadd.s32 $0xFFFFC000  }
.Ltmp1:
0x85: {  	[bflag:$0x0] =	sbarrier.arrive $0xFFFF;
	(pc) =	sbr.rel @p0 .LBB2_1-.Ltmp1, $4  }
0x86: {  	[hbm:s13], [sflag:s7] =	dma.local [spmem:s0], $0x2800  }
0x87: {  	_ =	swait.ge [sflag:s18], $0x2800  }
0x88: {  	[sflag:s18] =	ssyncset.done $0x0  }
0x89: {  	[sflag:s18] =	ssyncadd.s32 $0xFFFFD800  }
0x8a: {  	_ =	sfence.sel $0x180000  }
0x8b: {  	[bflag:$0x0] =	sbarrier.arrive $0xFFFF  }
0x8c: {  	_ =	strace $0x9000004D  }
0x8d: {  	s0 =	stileid.u32;
	[bflag:$0x2] =	sbarrier.arrive $0xFFFF  }
0x8e: {  	p0 =	sne.s32 s0, $0x0;
	s0 =	rddreg [dreg:$0x3]  }
0x8f: {  	s0 =	sadd.s32 @!p0 $0x100000, s0  }
0x90: {  	[sflag:s0] =	ssyncadd.tile.s32 @!p0 $0x1;
	_ =	shalt  }
.Lfunc_end2:
_tile_overlayer_lowered:
.L_overlay_start_2:
0x91: {  	(tag) =	ssettag $0x2  }
0x92: {  	s0 =	rddreg [dreg:$0x0];
	s2 =	stileid.u32  }
0x93: {  	s1 =	rddreg [dreg:$0x1];
	p0 =	sne.s32 s2, $0x0  }
0x94: {  	s3 =	rddreg [dreg:$0x2];
	[bflag:$0x3] =	sbarrier.arrive $0xFFFF;
	s2 =	simm.s32 @!p0 $0x1C05  }
0x95: {  	[timem:s3], [sflag:s2] =	dma.local @!p0 [hbm:s0], s1  }
0x96: {  	s0 =	simm.s32 @!p0 $0x5  }
0x97: {  	_ =	swait.ge @!p0 [sflag:s0], s1  }
0x98: {  	s1 =	ssub.s32 @!p0 $0x0, s1;
	[sflag:s0] =	ssyncset.done @!p0 $0x0  }
0x99: {  	[sflag:s0] =	ssyncadd.s32 @!p0 s1  }
0x9a: {  	[bflag:$0x3] =	sbarrier.arrive $0xFFFF  }
0x9b: {  	_ =	shalt  }

// kernel: kernel.8.cloned.1.call-start
scs
__scs_entry_jumppad:
0x0: {  	(pc) =	sbr.rel $0x88, $3  }
0x1: {  	(tag) =	ssettag $0x0;
	lr =	simm.s32 $0x1  }
0x2: {  	[smem:$0x3F9B] =	sst lr;
	_ =	strace $0xD0000000  }
0x3: {  	_ = 	snop  }
0x4: {  	_ = 	snop  }
0x5: {  	_ = 	snop  }
0x6: {  	_ = 	snop  }
0x7: {  	_ = 	snop  }
__scs_overlays_trampoline_lowered:
0x8: {  	[smem:$0x3FAA] =	sst s0  }
0x9: {  	[smem:$0x3FAB] =	sst s1  }
0xa: {  	[smem:$0x3FAC] =	sst s2  }
0xb: {  	[smem:$0x3FAD] =	sst s3  }
0xc: {  	[smem:$0x3FAE] =	sst s4  }
0xd: {  	[smem:$0x3FAF] =	sst s5  }
0xe: {  	[smem:$0x3FB0] =	sst s6  }
0xf: {  	[smem:$0x3FB1] =	sst s7  }
0x10: {  	[smem:$0x3FB2] =	sst s8  }
0x11: {  	[smem:$0x3FB3] =	sst s9;
	s0 =	simm.s32 @!p0 $0x0  }
0x12: {  	s1 =	sld [smem:$0x3F99];
	s0 =	simm.s32 @p0 $0x1  }
0x13: {  	[smem:$0x3FB4] =	sst s0;
	s0 =	simm.s32 @!p1 $0x0  }
0x14: {  	s2 =	sld [smem:$0x3F98];
	s0 =	simm.s32 @p1 $0x1  }
0x15: {  	[smem:$0x3FB5] =	sst s0;
	s0 =	simm.s32 @!p2 $0x0  }
0x16: {  	s3 =	sld [smem:$0x3FDB];
	s0 =	simm.s32 @p2 $0x1  }
0x17: {  	s4 =	simm.s32 $0x1BF5;
	[smem:$0x3FB7] =	sst s0  }
0x18: {  	s0 =	sld [smem:$0x3F9A];
	_ =	swait.ge [sflag:s4], $0x0  }
0x19: {  	s7 =	sld [smem:$0x3F9B]  }
0x1a: {  	s8 =	sadd.s32 $0xFFFFE003, lr  }
0x1b: {  	s9 =	sadd.s32 $0xFFFFFEF7, lr;
	s5 =	simm.s32 $0xFFFFFFFF;
	p2 =	slt.u32 s8, $0xFFFFF086  }
0x1c: {  	p1 =	slt.u32 s9, $0xF7A;
	s5 =	simm.s32 @!p2 $0x0  }
0x1d: {  	s5 =	simm.s32 @p1 $0x1;
	p0 =	seq.s32 s7, s2  }
0x1e: {  	s7 =	smul.u32 @!p0 $0xF7A, s2;
	p2 =	seq.s32 @!p0 s5, $0x0  }
0x1f: {  	s9 =	smul.u32 $0xF7A, s1;
	s8 =	simm.s32 @!p0 $0x1BF5;
	p2 =	por !p2, p0  }
0x20: {  	[sflag:s8] =	ssyncset.s32 @!p0 $0xFFFFF086;
	s6 =	sadd.s32 @!p0 s3, s7;
	s7 =	simm.s32 @!p0 $0x108  }
0x21: {  	s3 =	sadd.s32 s3, s9;
	s6 =	sadd.s32 @!p0 $0x88, s6;
	s7 =	simm.s32 @p2 $0x1082  }
0x22: {  	[simem:s7], [sflag:s8] =	dma.local @!p0 [hbm:s6], $0xF7A  }
0x23: {  	s9 =	sor.u32 $0xD0000000, s2;
	s6 =	simm.s32 $0x108;
	_ =	swait.ge @!p0 [sflag:s8], $0x0  }
0x24: {  	s3 =	sadd.s32 $0x88, s3;
	s6 =	simm.s32 @!p1 $0x1082;
	[sflag:s4] =	ssyncset.s32 $0xFFFFF086  }
0x25: {  	[simem:s6], [sflag:s4] =	dma.local [hbm:s3], $0xF7A  }
0x26: {  	[smem:$0x3F9B] =	sst s1;
	(tag) =	ssettag s2;
	_ =	strace s9  }
0x27: {  	s1 =	sld [smem:$0x3FAB]  }
0x28: {  	s2 =	sld [smem:$0x3FAC]  }
0x29: {  	s4 =	sld [smem:$0x3FAE]  }
0x2a: {  	p0 =	seq.s32 s5, $0x0;
	s5 =	sld [smem:$0x3FAF]  }
0x2b: {  	s6 =	sld [smem:$0x3FB0]  }
0x2c: {  	s7 =	sld [smem:$0x3FB1]  }
0x2d: {  	s3 =	simm.s32 $0x108;
	s8 =	sld [smem:$0x3FB2]  }
0x2e: {  	s3 =	simm.s32 @!p0 $0x1082;
	s9 =	sld [smem:$0x3FB3]  }
0x2f: {  	lr =	sadd.s32 s0, s3;
	s0 =	sld [smem:$0x3FAA]  }
0x30: {  	s3 =	sld [smem:$0x3FAD]  }
0x31: {  	[smem:$0x3FB6] =	sst s10  }
0x32: {  	s10 =	sld [smem:$0x3FB4];
	_ =	sdelay $0x3  }
0x33: {  	p0 =	seq.s32 s10, $0x1;
	s10 =	sld [smem:$0x3FB6];
	_ =	sdelay $0x3  }
0x34: {  	[smem:$0x3FB6] =	sst s10  }
0x35: {  	s10 =	sld [smem:$0x3FB5];
	_ =	sdelay $0x3  }
0x36: {  	p1 =	seq.s32 s10, $0x1;
	s10 =	sld [smem:$0x3FB6];
	_ =	sdelay $0x3  }
0x37: {  	[smem:$0x3FB6] =	sst s10  }
0x38: {  	s10 =	sld [smem:$0x3FB7]  }
0x39: {  	_ = 	snop;
	(pc) =	sbr.ind lr, $3  }
0x3a: {  	_ = 	snop  }
0x3b: {  	_ = 	snop  }
0x3c: {  	p2 =	seq.s32 s10, $0x1;
	s10 =	sld [smem:$0x3FB6]  }
0x3d: {  	_ =	shalt  }
0x3e: {  	_ =	shalt  }
0x3f: {  	_ =	shalt  }
0x40: {  	_ =	shalt  }
0x41: {  	_ =	shalt  }
0x42: {  	_ =	shalt  }
0x43: {  	_ =	shalt  }
0x44: {  	_ =	shalt  }
0x45: {  	_ =	shalt  }
0x46: {  	_ =	shalt  }
0x47: {  	_ =	shalt  }
0x48: {  	_ =	shalt  }
0x49: {  	_ =	shalt  }
0x4a: {  	_ =	shalt  }
0x4b: {  	_ =	shalt  }
0x4c: {  	_ =	shalt  }
0x4d: {  	_ =	shalt  }
0x4e: {  	_ =	shalt  }
0x4f: {  	_ =	shalt  }
0x50: {  	_ =	shalt  }
0x51: {  	_ =	shalt  }
0x52: {  	_ =	shalt  }
0x53: {  	_ =	shalt  }
0x54: {  	_ =	shalt  }
0x55: {  	_ =	shalt  }
0x56: {  	_ =	shalt  }
0x57: {  	_ =	shalt  }
0x58: {  	_ =	shalt  }
0x59: {  	_ =	shalt  }
0x5a: {  	_ =	shalt  }
0x5b: {  	_ =	shalt  }
0x5c: {  	_ =	shalt  }
0x5d: {  	_ =	shalt  }
0x5e: {  	_ =	shalt  }
0x5f: {  	_ =	shalt  }
0x60: {  	_ =	shalt  }
0x61: {  	_ =	shalt  }
0x62: {  	_ =	shalt  }
0x63: {  	_ =	shalt  }
0x64: {  	_ =	shalt  }
0x65: {  	_ =	shalt  }
0x66: {  	_ =	shalt  }
0x67: {  	_ =	shalt  }
0x68: {  	_ =	shalt  }
0x69: {  	_ =	shalt  }
0x6a: {  	_ =	shalt  }
0x6b: {  	_ =	shalt  }
0x6c: {  	_ =	shalt  }
0x6d: {  	_ =	shalt  }
0x6e: {  	_ =	shalt  }
0x6f: {  	_ =	shalt  }
0x70: {  	_ =	shalt  }
0x71: {  	_ =	shalt  }
0x72: {  	_ =	shalt  }
0x73: {  	_ =	shalt  }
0x74: {  	_ =	shalt  }
0x75: {  	_ =	shalt  }
0x76: {  	_ =	shalt  }
0x77: {  	_ =	shalt  }
0x78: {  	_ =	shalt  }
0x79: {  	_ =	shalt  }
0x7a: {  	_ =	shalt  }
0x7b: {  	_ =	shalt  }
0x7c: {  	_ =	shalt  }
0x7d: {  	_ =	shalt  }
0x7e: {  	_ =	shalt  }
0x7f: {  	_ =	shalt  }
0x80: {  	_ =	shalt  }
0x81: {  	_ =	shalt  }
0x82: {  	_ =	shalt  }
0x83: {  	_ =	shalt  }
0x84: {  	_ =	shalt  }
0x85: {  	_ =	shalt  }
0x86: {  	_ =	shalt  }
0x87: {  	_ =	shalt  }
.Lfunc_end0:
.L_simem_size_0:
called_computation_lowered:
.L_overlay_start_0:
0x88: {  	s2 =	sld [smem:$0x3FD9]  }
0x89: {  	s3 =	sld [smem:$0x3FFE];
	_ =	sdelay $0x1  }
0x8a: {  	s1 =	srdreg.scid  }
0x8b: {  	s0 =	sand.u32 $0x1, s1  }
0x8c: {  	s16 =	sshll.u32 s0, $0xA;
	s2 =	sadd.s32 s3, s2  }
0x8d: {  	s2 =	sadd.s32 s2, s16  }
0x8e: {  	[smem:$0x3FC2] =	sst s2  }
0x8f: {  	_ = 	snop  }
0x90: {  	(tm) =	ssettm $0x1  }
0x91: {  	s17 =	sld [smem:$0x3FFB];
	_ =	sdelay $0x3  }
0x92: {  	_ =	strace s17  }
0x93: {  	s2 =	sld [smem:$0x3FFC];
	_ =	sdelay $0x3  }
0x94: {  	_ =	strace s2  }
0x95: {  	s2 =	sld [smem:$0x3FFD];
	_ =	sdelay $0x3  }
0x96: {  	_ =	strace s2  }
0x97: {  	_ =	strace $0x8FFFFFFF  }
0x98: {  	s18 =	sld [smem:$0x3FDB];
	_ =	sdelay $0x1  }
0x99: {  	s19 =	simm.s32 $_scs_section_size  }
0x9a: {  	s4 =	simm.s32 $_size__tile_overlayer_lowered;
	s5 =	simm.s32 $_tile_overlayer_lowered  }
0x9b: {  	s22 =	simm.s32 $0x1BFF;
	s21 =	sshll.u32 s5, $0x1;
	s2 =	sadd.s32 s19, s18  }
0x9c: {  	s6 =	simm.s32 $0x0;
	s20 =	sshll.u32 s4, $0x1;
	s4 =	sadd.s32 s21, s2  }
0x9d: {  	[timem:s6], [sflag:s22] =	dma.local [hbm:s4], s20  }
0x9e: {  	_ =	swait.ge [sflag:s22], s20  }
0x9f: {  	s3 =	ssub.s32 $0x0, s20;
	[sflag:s22] =	ssyncset.done $0x0  }
0xa0: {  	[sflag:s22] =	ssyncadd.s32 s3;
	_ =	sdelay $0x1  }
0xa1: {  	s23 =	simm.s32 $0x1B8B  }
0xa2: {  	_ =	swait.ge [sflag:s23], $0x1  }
0xa3: {  	[sflag:s23] =	ssyncset.done $0x0  }
0xa4: {  	s25 =	simm.s32 $0x1B8E;
	s24 =	sld [smem:$0x3FFE];
	[sflag:s23] =	ssyncadd.s32 $0xFFFFFFFF  }
0xa5: {  	s26 =	simm.s32 $execute0_lowered;
	[smem:$0x3FD2] =	sst s25  }
0xa6: {  	s4 =	sshll.u32 s26, $0x1;
	_ =	strace $0x80000046;
	[dreg:$0x1] =	wrdreg $0xFFFFFFFF  }
0xa7: {  	s28 =	simm.s32 $_size_execute0_lowered;
	s2 =	sadd.s32 s2, s4;
	[dreg:$0x0] =	wrdreg $0x0  }
0xa8: {  	s4 =	sshll.u32 s28, $0x1;
	[dreg:$0x2] =	wrdreg s2  }
0xa9: {  	[dreg:$0x3] =	wrdreg s4  }
0xaa: {  	[dreg:$0x4] =	wrdreg $0xC0  }
0xab: {  	_ =	task [dreg:s6], $0x5FFFF  }
0xac: {  	[dreg:$0x1] =	wrdreg $0xFFFFFFFF  }
0xad: {  	[dreg:$0x0] =	wrdreg $0x60  }
0xae: {  	[dreg:$0x2] =	wrdreg s24  }
0xaf: {  	[dreg:$0x3] =	wrdreg $0x0  }
0xb0: {  	[dreg:$0x4] =	wrdreg $0x9  }
0xb1: {  	_ =	task.clear_ibuf [dreg:s6], $0x5FFFF;
	_ =	strace $0x90000046  }
0xb2: {  	s29 =	simm.s32 $0x9;
	_ =	strace $0x80000048  }
0xb3: {  	_ =	swait.ge [sflag:s29], $0x1  }
0xb4: {  	[sflag:s29] =	ssyncadd.s32 $0xFFFFFFFF  }
0xb5: {  	_ =	strace $0x90000048  }
0xb6: {  	_ =	sfence  }
0xb7: {  	s30 =	sld [smem:$0x0];
	_ =	sdelay $0x2  }
0xb8: {  	s31 =	sshll.u32 s1, $0xD;
	s1 =	sshrl.u32 s1, $0x2  }
0xb9: {  	s3 =	sand.u32 $0x4000, s31;
	s1 =	sadd.s32 s1, s30  }
0xba: {  	s0 =	sor.u32 s3, s0;
	s1 =	sshll.u32 s1, $0x11  }
0xbb: {  	s0 =	sor.u32 s1, s0  }
0xbc: {  	s0 =	sadd.s32 $0x8F2B, s0  }
0xbd: {  	[sflag:s0] =	ssyncadd.remote.s32 $0x1  }
0xbe: {  	_ =	sfence.sel $0xFFFF  }
0xbf: {  	[dreg:$0x0] =	wrdreg $0xFFFFFFFF;
	(pc) =	sbr.abs _section_cstart, $3  }
0xc0: {  	[dreg:$0x1] =	wrdreg $0xFFFFFFFF  }
0xc1: {  	_ =	task.clear_ibuf [dreg:s6], $0x2FFFF;
	_ =	strace $0x9FFFFFFF  }
0xc2: {  	(tm) =	ssettm $0x7FFFFFFF  }
0xc3: {  	_ =	shalt  }
tec
execute0_lowered:
.L_overlay_start_1:
0x0: {  	(tag) =	ssettag $0x1  }
0x1: {  	s0 =	srdreg.scid;
	s7 =	rddreg [dreg:$0x0]  }
0x2: {  	s2 =	rddreg [dreg:$0x1];
	s1 =	stileid.u32  }
0x3: {  	s3 =	simm.s32 $0x0;
	s10 =	simm.s32 $0x580;
	s11 =	simm.s32 $0x80  }
0x4: {  	s12 =	simm.s32 $0x500;
	s13 =	simm.s32 $0x600;
	s14 =	simm.s32 $0x680  }
0x5: {  	s15 =	simm.s32 $0x700;
	s16 =	simm.s32 $0x780;
	s17 =	simm.s32 $0x800  }
0x6: {  	s18 =	simm.s32 $0x880;
	s19 =	simm.s32 $0x900;
	s20 =	simm.s32 $0x1  }
0x7: {  	s23 =	simm.s32 $0x0;
	s4 =	sand.u32 $0x1, s0;
	s0 =	rddreg [dreg:$0x2]  }
0x8: {  	[smem:$0x7FF] =	sst s3;
	s9 =	smul.u32 $0x280, s1;
	s21 =	sshll.u32 s1, $0x6  }
0x9: {  	s5 =	sshll.u32 s4, $0x4;
	_ =	strace $0x80000047;
	s6 =	ssub.s32 $0x2, s4  }
0xa: {  	p0 =	seq.s32 s4, $0x1;
	s21 =	sor.u32 $0x1C02, s21;
	s5 =	sor.u32 s1, s5  }
0xb: {  	s8 =	sshrl.u32 s6, $0x1;
	s4 =	sadd.s32 s9, s2;
	s9 =	sshrl.u32 s9, $0x3  }
0xc: {  	s5 =	smul.u32 $0x500, s5;
	s6 =	ssub.s32 s6, s8;
	s8 =	simm.s32 $0xE600  }
0xd: {  	s22 =	sshrl.u32 s4, $0x3;
	s8 =	simm.s32 @!p0 $0xE000;
	s6 =	smax.u32 s6, $0x1  }
0xe: {  	s5 =	sadd.s32 s5, s7;
	s7 =	sadd.s32 s8, s7;
	s8 =	simm.s32 $0x280  }
0xf: {  	v0 =	vimm.f32 $0.0e+00;
	v1 =	vimm.f32 $1.000000000e+00;
	s5 =	sadd.s32 $0x4000, s5;
	s7 =	sadd.s32 s7, s9;
	s9 =	simm.s32 $0x2  }
.LBB2_1:
0x10: {  	[tilespmem:$0x280] =	vst v0  }
0x11: {  	[tilespmem:$0x290] =	vst v0  }
0x12: {  	[tilespmem:$0x2A0] =	vst v0  }
0x13: {  	[tilespmem:$0x2B0] =	vst v0  }
0x14: {  	[tilespmem:$0x2C0] =	vst v0  }
0x15: {  	[tilespmem:$0x2D0] =	vst v0  }
0x16: {  	[tilespmem:$0x2E0] =	vst v0  }
0x17: {  	[tilespmem:$0x2F0] =	vst v0  }
0x18: {  	[tilespmem:$0x300] =	vst v0  }
0x19: {  	[tilespmem:$0x310] =	vst v0  }
0x1a: {  	[tilespmem:$0x320] =	vst v0  }
0x1b: {  	[tilespmem:$0x330] =	vst v0  }
0x1c: {  	[tilespmem:$0x340] =	vst v0  }
0x1d: {  	[tilespmem:$0x350] =	vst v0  }
0x1e: {  	[tilespmem:$0x360] =	vst v0  }
0x1f: {  	[tilespmem:$0x370] =	vst v0  }
0x20: {  	[tilespmem:$0x380] =	vst v0  }
0x21: {  	[tilespmem:$0x390] =	vst v0  }
0x22: {  	[tilespmem:$0x3A0] =	vst v0  }
0x23: {  	[tilespmem:$0x3B0] =	vst v0  }
0x24: {  	[tilespmem:$0x3C0] =	vst v0  }
0x25: {  	[tilespmem:$0x3D0] =	vst v0  }
0x26: {  	[tilespmem:$0x3E0] =	vst v0  }
0x27: {  	[tilespmem:$0x3F0] =	vst v0  }
0x28: {  	[tilespmem:$0x400] =	vst v0  }
0x29: {  	[tilespmem:$0x410] =	vst v0  }
0x2a: {  	[tilespmem:$0x420] =	vst v0  }
0x2b: {  	[tilespmem:$0x430] =	vst v0  }
0x2c: {  	[tilespmem:$0x440] =	vst v0  }
0x2d: {  	[tilespmem:$0x450] =	vst v0  }
0x2e: {  	[tilespmem:$0x460] =	vst v0  }
0x2f: {  	[tilespmem:$0x470] =	vst v0  }
0x30: {  	[tilespmem:$0x480] =	vst v0  }
0x31: {  	[tilespmem:$0x490] =	vst v0  }
0x32: {  	[tilespmem:$0x4A0] =	vst v0  }
0x33: {  	[tilespmem:$0x4B0] =	vst v0  }
0x34: {  	[tilespmem:$0x4C0] =	vst v0  }
0x35: {  	[tilespmem:$0x4D0] =	vst v0  }
0x36: {  	[tilespmem:$0x4E0] =	vst v0  }
0x37: {  	[tilespmem:$0x4F0] =	vst v0  }
0x38: {  	[tilespmem:$0x500] =	vst v1  }
0x39: {  	[tilespmem:$0x510] =	vst v1  }
0x3a: {  	[tilespmem:$0x520] =	vst v1  }
0x3b: {  	[tilespmem:$0x530] =	vst v1  }
0x3c: {  	[tilespmem:$0x540] =	vst v1  }
0x3d: {  	[tilespmem:$0x550] =	vst v1  }
0x3e: {  	[tilespmem:$0x560] =	vst v1  }
0x3f: {  	[tilespmem:$0x570] =	vst v1  }
0x40: {  	[spmem:s4] =	stream.linear.scatter [tilespmem:s8], [sflag:$0x2], $0x280, $0x38;
	[tilespmem:$0x2D80] =	vst v63  }
0x41: {  	_ =	swait.ge [sflag:s9], $0x280  }
0x42: {  	[sflag:s9] =	ssyncset.done $0x0  }
0x43: {  	[sflag:s9] =	ssyncadd.s32 $0xFFFFFD80  }
0x44: {  	[tilespmem:s10], [sflag:$0x2] =	stream.linear.gather [hbm4b:s5+s3], $0x2800, $0x38;
	[tilespmem:$0x2D80] =	vst v63  }
0x45: {  	_ =	swait.ge [sflag:s9], $0x2800  }
0x46: {  	[sflag:s9] =	ssyncset.done $0x0  }
0x47: {  	[sflag:s9] =	ssyncadd.s32 $0xFFFFD800  }
0x48: {  	[bflag:$0x0] =	sbarrier.arrive $0xFFFF  }
0x49: {  	[spmem:s2] =	stream.indirect.scatter.add.f32 [tilespmem:s12], [sflag:$0x1], $0x1, s10, s11, $0xb8;
	[tilespmem:$0x2D80] =	vst v63  }
0x4a: {  	_ = 	snop  }
0x4b: {  	[spmem:s2] =	stream.indirect.scatter.add.f32 [tilespmem:s12], [sflag:$0x1], $0x1, s13, s11, $0xb8;
	[tilespmem:$0x2D80] =	vst v63  }
0x4c: {  	_ = 	snop  }
0x4d: {  	[spmem:s2] =	stream.indirect.scatter.add.f32 [tilespmem:s12], [sflag:$0x1], $0x1, s14, s11, $0xb8;
	[tilespmem:$0x2D80] =	vst v63  }
0x4e: {  	_ = 	snop  }
0x4f: {  	[spmem:s2] =	stream.indirect.scatter.add.f32 [tilespmem:s12], [sflag:$0x1], $0x1, s15, s11, $0xb8;
	[tilespmem:$0x2D80] =	vst v63  }
0x50: {  	_ = 	snop  }
0x51: {  	[spmem:s2] =	stream.indirect.scatter.add.f32 [tilespmem:s12], [sflag:$0x1], $0x1, s16, s11, $0xb8;
	[tilespmem:$0x2D80] =	vst v63  }
0x52: {  	_ = 	snop  }
0x53: {  	[spmem:s2] =	stream.indirect.scatter.add.f32 [tilespmem:s12], [sflag:$0x1], $0x1, s17, s11, $0xb8;
	[tilespmem:$0x2D80] =	vst v63  }
0x54: {  	_ = 	snop  }
0x55: {  	[spmem:s2] =	stream.indirect.scatter.add.f32 [tilespmem:s12], [sflag:$0x1], $0x1, s18, s11, $0xb8;
	[tilespmem:$0x2D80] =	vst v63  }
0x56: {  	_ = 	snop  }
0x57: {  	[spmem:s2] =	stream.indirect.scatter.add.f32 [tilespmem:s12], [sflag:$0x1], $0x1, s19, s11, $0xb8;
	[tilespmem:$0x2D80] =	vst v63  }
0x58: {  	s24 =	simm.s32 $0x980  }
0x59: {  	[spmem:s2] =	stream.indirect.scatter.add.f32 [tilespmem:s12], [sflag:$0x1], $0x1, s24, s11, $0xb8;
	[tilespmem:$0x2D80] =	vst v63  }
0x5a: {  	s30 =	simm.s32 $0xA00  }
0x5b: {  	[spmem:s2] =	stream.indirect.scatter.add.f32 [tilespmem:s12], [sflag:$0x1], $0x1, s30, s11, $0xb8;
	[tilespmem:$0x2D80] =	vst v63  }
0x5c: {  	s31 =	simm.s32 $0xA80  }
0x5d: {  	[spmem:s2] =	stream.indirect.scatter.add.f32 [tilespmem:s12], [sflag:$0x1], $0x1, s31, s11, $0xb8;
	[tilespmem:$0x2D80] =	vst v63  }
0x5e: {  	s25 =	simm.s32 $0xB00  }
0x5f: {  	[spmem:s2] =	stream.indirect.scatter.add.f32 [tilespmem:s12], [sflag:$0x1], $0x1, s25, s11, $0xb8;
	[tilespmem:$0x2D80] =	vst v63  }
0x60: {  	s26 =	simm.s32 $0xB80  }
0x61: {  	[spmem:s2] =	stream.indirect.scatter.add.f32 [tilespmem:s12], [sflag:$0x1], $0x1, s26, s11, $0xb8;
	[tilespmem:$0x2D80] =	vst v63  }
0x62: {  	s29 =	simm.s32 $0xC00  }
0x63: {  	[spmem:s2] =	stream.indirect.scatter.add.f32 [tilespmem:s12], [sflag:$0x1], $0x1, s29, s11, $0xb8;
	[tilespmem:$0x2D80] =	vst v63  }
0x64: {  	s30 =	simm.s32 $0xC80  }
0x65: {  	[spmem:s2] =	stream.indirect.scatter.add.f32 [tilespmem:s12], [sflag:$0x1], $0x1, s30, s11, $0xb8;
	[tilespmem:$0x2D80] =	vst v63  }
0x66: {  	s31 =	simm.s32 $0xD00  }
0x67: {  	[spmem:s2] =	stream.indirect.scatter.add.f32 [tilespmem:s12], [sflag:$0x1], $0x1, s31, s11, $0xb8;
	[tilespmem:$0x2D80] =	vst v63  }
0x68: {  	_ =	swait.ge [sflag:s20], $0x80  }
0x69: {  	[sflag:s20] =	ssyncset.done $0x0  }
0x6a: {  	[sflag:s20] =	ssyncadd.s32 $0xFFFFFF80  }
0x6b: {  	_ =	swait.ge [sflag:s20], $0x80  }
0x6c: {  	[sflag:s20] =	ssyncset.done $0x0  }
0x6d: {  	[sflag:s20] =	ssyncadd.s32 $0xFFFFFF80  }
0x6e: {  	_ =	swait.ge [sflag:s20], $0x80  }
0x6f: {  	[sflag:s20] =	ssyncset.done $0x0  }
0x70: {  	[sflag:s20] =	ssyncadd.s32 $0xFFFFFF80  }
0x71: {  	_ =	swait.ge [sflag:s20], $0x80  }
0x72: {  	[sflag:s20] =	ssyncset.done $0x0  }
0x73: {  	[sflag:s20] =	ssyncadd.s32 $0xFFFFFF80  }
0x74: {  	_ =	swait.ge [sflag:s20], $0x80  }
0x75: {  	[sflag:s20] =	ssyncset.done $0x0  }
0x76: {  	[sflag:s20] =	ssyncadd.s32 $0xFFFFFF80  }
0x77: {  	_ =	swait.ge [sflag:s20], $0x80  }
0x78: {  	[sflag:s20] =	ssyncset.done $0x0  }
0x79: {  	[sflag:s20] =	ssyncadd.s32 $0xFFFFFF80  }
0x7a: {  	_ =	swait.ge [sflag:s20], $0x80  }
0x7b: {  	[sflag:s20] =	ssyncset.done $0x0  }
0x7c: {  	[sflag:s20] =	ssyncadd.s32 $0xFFFFFF80  }
0x7d: {  	_ =	swait.ge [sflag:s20], $0x80  }
0x7e: {  	s28 =	simm.s32 $0x2000;
	s26 =	simm.s32 $0x400;
	[sflag:s20] =	ssyncset.done $0x0  }
.LBB2_2:
0x7f: {  	s29 =	sadd.s32 $0x980, s26  }
0x80: {  	[sflag:s20] =	ssyncadd.s32 $0xFFFFFF80;
	s25 =	smov.u32 s28;
	s24 =	sadd.s32 $0x1000, s28  }
0x81: {  	[spmem:s2] =	stream.indirect.scatter.add.f32 [tilespmem:s12], [sflag:$0x1], $0x1, s29, s11, $0xb8;
	[tilespmem:$0x2D80] =	vst v63  }
0x82: {  	p0 =	sne.s32 s28, $0x8000;
	s28 =	sadd.s32 $0xA00, s26  }
0x83: {  	[spmem:s2] =	stream.indirect.scatter.add.f32 [tilespmem:s12], [sflag:$0x1], $0x1, s28, s11, $0xb8;
	[tilespmem:$0x2D80] =	vst v63  }
0x84: {  	s28 =	sadd.s32 $0xA80, s26  }
0x85: {  	[spmem:s2] =	stream.indirect.scatter.add.f32 [tilespmem:s12], [sflag:$0x1], $0x1, s28, s11, $0xb8;
	[tilespmem:$0x2D80] =	vst v63  }
0x86: {  	s28 =	sadd.s32 $0xB00, s26  }
0x87: {  	[spmem:s2] =	stream.indirect.scatter.add.f32 [tilespmem:s12], [sflag:$0x1], $0x1, s28, s11, $0xb8;
	[tilespmem:$0x2D80] =	vst v63  }
0x88: {  	s28 =	sadd.s32 $0xB80, s26  }
0x89: {  	[spmem:s2] =	stream.indirect.scatter.add.f32 [tilespmem:s12], [sflag:$0x1], $0x1, s28, s11, $0xb8;
	[tilespmem:$0x2D80] =	vst v63  }
0x8a: {  	s28 =	sadd.s32 $0xC00, s26  }
0x8b: {  	[spmem:s2] =	stream.indirect.scatter.add.f32 [tilespmem:s12], [sflag:$0x1], $0x1, s28, s11, $0xb8;
	[tilespmem:$0x2D80] =	vst v63  }
0x8c: {  	s28 =	sadd.s32 $0xC80, s26  }
0x8d: {  	[spmem:s2] =	stream.indirect.scatter.add.f32 [tilespmem:s12], [sflag:$0x1], $0x1, s28, s11, $0xb8;
	[tilespmem:$0x2D80] =	vst v63  }
0x8e: {  	s26 =	sadd.s32 $0xD00, s26  }
0x8f: {  	[spmem:s2] =	stream.indirect.scatter.add.f32 [tilespmem:s12], [sflag:$0x1], $0x1, s26, s11, $0xb8;
	[tilespmem:$0x2D80] =	vst v63  }
0x90: {  	_ =	swait.ge [sflag:s20], $0x80  }
0x91: {  	[sflag:s20] =	ssyncset.done $0x0  }
0x92: {  	[sflag:s20] =	ssyncadd.s32 $0xFFFFFF80  }
0x93: {  	_ =	swait.ge [sflag:s20], $0x80  }
0x94: {  	[sflag:s20] =	ssyncset.done $0x0  }
0x95: {  	[sflag:s20] =	ssyncadd.s32 $0xFFFFFF80  }
0x96: {  	_ =	swait.ge [sflag:s20], $0x80  }
0x97: {  	[sflag:s20] =	ssyncset.done $0x0  }
0x98: {  	[sflag:s20] =	ssyncadd.s32 $0xFFFFFF80  }
0x99: {  	_ =	swait.ge [sflag:s20], $0x80  }
0x9a: {  	[sflag:s20] =	ssyncset.done $0x0  }
0x9b: {  	[sflag:s20] =	ssyncadd.s32 $0xFFFFFF80  }
0x9c: {  	_ =	swait.ge [sflag:s20], $0x80  }
0x9d: {  	[sflag:s20] =	ssyncset.done $0x0  }
0x9e: {  	[sflag:s20] =	ssyncadd.s32 $0xFFFFFF80  }
0x9f: {  	_ =	swait.ge [sflag:s20], $0x80  }
0xa0: {  	[sflag:s20] =	ssyncset.done $0x0  }
0xa1: {  	[sflag:s20] =	ssyncadd.s32 $0xFFFFFF80  }
.Ltmp0:
0xa2: {  	_ =	swait.ge [sflag:s20], $0x80;
	(pc) =	sbr.rel @p0 .LBB2_2-.Ltmp0, $4  }
0xa3: {  	[sflag:s20] =	ssyncset.done $0x0  }
0xa4: {  	[sflag:s20] =	ssyncadd.s32 $0xFFFFFF80  }
0xa5: {  	_ =	swait.ge [sflag:s20], $0x80  }
0xa6: {  	s28 =	smov.u32 s24;
	s26 =	sshra.s32 s25, $0x2;
	[sflag:s20] =	ssyncset.done $0x0  }
0xa7: {  	s24 =	sadd.s32 $0x980, s26;
	[sflag:s20] =	ssyncadd.s32 $0xFFFFFF80  }
0xa8: {  	[spmem:s2] =	stream.indirect.scatter.add.f32 [tilespmem:s12], [sflag:$0x1], $0x1, s24, s11, $0xb8;
	[tilespmem:$0x2D80] =	vst v63  }
0xa9: {  	s30 =	sadd.s32 $0xA00, s26  }
0xaa: {  	[spmem:s2] =	stream.indirect.scatter.add.f32 [tilespmem:s12], [sflag:$0x1], $0x1, s30, s11, $0xb8;
	[tilespmem:$0x2D80] =	vst v63  }
0xab: {  	s31 =	sadd.s32 $0xA80, s26  }
0xac: {  	[spmem:s2] =	stream.indirect.scatter.add.f32 [tilespmem:s12], [sflag:$0x1], $0x1, s31, s11, $0xb8;
	[tilespmem:$0x2D80] =	vst v63  }
0xad: {  	s25 =	sadd.s32 $0xB00, s26  }
0xae: {  	[spmem:s2] =	stream.indirect.scatter.add.f32 [tilespmem:s12], [sflag:$0x1], $0x1, s25, s11, $0xb8;
	[tilespmem:$0x2D80] =	vst v63  }
0xaf: {  	s28 =	sadd.s32 $0xB80, s26  }
0xb0: {  	[spmem:s2] =	stream.indirect.scatter.add.f32 [tilespmem:s12], [sflag:$0x1], $0x1, s28, s11, $0xb8;
	[tilespmem:$0x2D80] =	vst v63  }
0xb1: {  	s29 =	sadd.s32 $0xC00, s26  }
0xb2: {  	[spmem:s2] =	stream.indirect.scatter.add.f32 [tilespmem:s12], [sflag:$0x1], $0x1, s29, s11, $0xb8;
	[tilespmem:$0x2D80] =	vst v63  }
0xb3: {  	s30 =	sadd.s32 $0xC80, s26  }
0xb4: {  	[spmem:s2] =	stream.indirect.scatter.add.f32 [tilespmem:s12], [sflag:$0x1], $0x1, s30, s11, $0xb8;
	[tilespmem:$0x2D80] =	vst v63  }
0xb5: {  	s31 =	sadd.s32 $0xD00, s26  }
0xb6: {  	[spmem:s2] =	stream.indirect.scatter.add.f32 [tilespmem:s12], [sflag:$0x1], $0x1, s31, s11, $0xb8;
	[tilespmem:$0x2D80] =	vst v63  }
0xb7: {  	_ =	swait.ge [sflag:s20], $0x80  }
0xb8: {  	[sflag:s20] =	ssyncset.done $0x0  }
0xb9: {  	[sflag:s20] =	ssyncadd.s32 $0xFFFFFF80  }
0xba: {  	_ =	swait.ge [sflag:s20], $0x80  }
0xbb: {  	[sflag:s20] =	ssyncset.done $0x0  }
0xbc: {  	[sflag:s20] =	ssyncadd.s32 $0xFFFFFF80  }
0xbd: {  	_ =	swait.ge [sflag:s20], $0x80  }
0xbe: {  	[sflag:s20] =	ssyncset.done $0x0  }
0xbf: {  	[sflag:s20] =	ssyncadd.s32 $0xFFFFFF80  }
0xc0: {  	_ =	swait.ge [sflag:s20], $0x80  }
0xc1: {  	[sflag:s20] =	ssyncset.done $0x0  }
0xc2: {  	[sflag:s20] =	ssyncadd.s32 $0xFFFFFF80  }
0xc3: {  	_ =	swait.ge [sflag:s20], $0x80  }
0xc4: {  	[sflag:s20] =	ssyncset.done $0x0  }
0xc5: {  	[sflag:s20] =	ssyncadd.s32 $0xFFFFFF80  }
0xc6: {  	_ =	swait.ge [sflag:s20], $0x80  }
0xc7: {  	[sflag:s20] =	ssyncset.done $0x0  }
0xc8: {  	[sflag:s20] =	ssyncadd.s32 $0xFFFFFF80  }
0xc9: {  	_ =	swait.ge [sflag:s20], $0x80  }
0xca: {  	[sflag:s20] =	ssyncset.done $0x0  }
0xcb: {  	[sflag:s20] =	ssyncadd.s32 $0xFFFFFF80  }
0xcc: {  	_ =	swait.ge [sflag:s20], $0x80  }
0xcd: {  	[sflag:s20] =	ssyncset.done $0x0  }
0xce: {  	[sflag:s20] =	ssyncadd.s32 $0xFFFFFF80  }
0xcf: {  	_ =	swait.ge [sflag:s20], $0x80  }
0xd0: {  	[sflag:s20] =	ssyncset.done $0x0  }
0xd1: {  	[sflag:s20] =	ssyncadd.s32 $0xFFFFFF80  }
0xd2: {  	_ =	swait.ge [sflag:s20], $0x80  }
0xd3: {  	[sflag:s20] =	ssyncset.done $0x0  }
0xd4: {  	[sflag:s20] =	ssyncadd.s32 $0xFFFFFF80  }
0xd5: {  	_ =	swait.ge [sflag:s20], $0x80  }
0xd6: {  	[sflag:s20] =	ssyncset.done $0x0  }
0xd7: {  	[sflag:s20] =	ssyncadd.s32 $0xFFFFFF80  }
0xd8: {  	_ =	swait.ge [sflag:s20], $0x80  }
0xd9: {  	[sflag:s20] =	ssyncset.done $0x0  }
0xda: {  	[sflag:s20] =	ssyncadd.s32 $0xFFFFFF80  }
0xdb: {  	_ =	swait.ge [sflag:s20], $0x80  }
0xdc: {  	[sflag:s20] =	ssyncset.done $0x0  }
0xdd: {  	[sflag:s20] =	ssyncadd.s32 $0xFFFFFF80  }
0xde: {  	_ =	swait.ge [sflag:s20], $0x80  }
0xdf: {  	[sflag:s20] =	ssyncset.done $0x0  }
0xe0: {  	[sflag:s20] =	ssyncadd.s32 $0xFFFFFF80  }
0xe1: {  	_ =	swait.ge [sflag:s20], $0x80  }
0xe2: {  	[sflag:s20] =	ssyncset.done $0x0  }
0xe3: {  	[sflag:s20] =	ssyncadd.s32 $0xFFFFFF80  }
0xe4: {  	_ =	swait.ge [sflag:s20], $0x80  }
0xe5: {  	s23 =	sadd.s32 $0x1, s23;
	[sflag:s20] =	ssyncset.done $0x0  }
0xe6: {  	p0 =	sne.s32 s23, s6;
	[sflag:s20] =	ssyncadd.s32 $0xFFFFFF80  }
.Ltmp1:
0xe7: {  	[bflag:$0x0] =	sbarrier.arrive $0xFFFF;
	(pc) =	sbr.rel @p0 .LBB2_1-.Ltmp1, $4  }
0xe8: {  	[hbm:s7], [sflag:s21] =	dma.local [spmem:s22], $0x50  }
0xe9: {  	_ =	swait.ge [sflag:s9], $0x50  }
0xea: {  	[sflag:s9] =	ssyncset.done $0x0  }
0xeb: {  	[sflag:s9] =	ssyncadd.s32 $0xFFFFFFB0  }
0xec: {  	_ =	sfence.sel $0x180000  }
0xed: {  	[bflag:$0x0] =	sbarrier.arrive $0xFFFF  }
0xee: {  	p0 =	sne.s32 s1, $0x0;
	_ =	strace $0x90000047  }
0xef: {  	s0 =	sadd.s32 @!p0 $0x100000, s0;
	[bflag:$0x2] =	sbarrier.arrive $0xFFFF  }
0xf0: {  	[sflag:s0] =	ssyncadd.tile.s32 @!p0 $0x1;
	_ =	shalt  }
.Lfunc_end2:
_tile_overlayer_lowered:
.L_overlay_start_2:
0xf1: {  	(tag) =	ssettag $0x2  }
0xf2: {  	s0 =	rddreg [dreg:$0x0];
	s2 =	stileid.u32  }
0xf3: {  	s1 =	rddreg [dreg:$0x1];
	p0 =	sne.s32 s2, $0x0  }
0xf4: {  	s3 =	rddreg [dreg:$0x2];
	[bflag:$0x3] =	sbarrier.arrive $0xFFFF;
	s2 =	simm.s32 @!p0 $0x1C02  }
0xf5: {  	[timem:s3], [sflag:s2] =	dma.local @!p0 [hbm:s0], s1  }
0xf6: {  	s0 =	simm.s32 @!p0 $0x2  }
0xf7: {  	_ =	swait.ge @!p0 [sflag:s0], s1  }
0xf8: {  	s1 =	ssub.s32 @!p0 $0x0, s1;
	[sflag:s0] =	ssyncset.done @!p0 $0x0  }
0xf9: {  	[sflag:s0] =	ssyncadd.s32 @!p0 s1  }
0xfa: {  	[bflag:$0x3] =	sbarrier.arrive $0xFFFF  }
0xfb: {  	_ =	shalt  }

</sc_bundles>
